<compile_context>
chip_gen: v7x
topology: tpu7x:2x2x1
jax: 0.10.2.dev20260603
libtpu: 0.0.44.dev20260713+nightly
codegen_flags: <defaults>
</compile_context>

<pallas_src>
import functools

import jax
import jax.numpy as jnp
from jax import lax
from jax.experimental import pallas as pl
from jax.experimental.pallas import tpu as pltpu
from jax.experimental.pallas import tpu_sc as plsc

N = 10000
E = 320000
D = 128
L = 3

NC = 2
NS = 16
NW = NC * NS
EPW = E // NW
K = 125
EPWP = 10000
NCH = EPWP // K
NPAD = 10240
SENT = 10239
DH = D // 2
RPT = NPAD // NS

_mesh = plsc.VectorSubcoreMesh(core_axis_name="c", subcore_axis_name="s")


@functools.partial(
    pl.kernel,
    out_type=jax.ShapeDtypeStruct((NC, NPAD), jnp.float32),
    mesh=_mesh,
    scratch_types=[
        pltpu.VMEM((NCH, K), jnp.int32),
        pltpu.VMEM((K,), jnp.float32),
        pltpu.VMEM_SHARED((NPAD,), jnp.float32),
    ],
)
def _deg_kernel(dst_hbm, ones_hbm, zvec_hbm, deg_out, dst_loc, ones_loc, deg_sm):
    c = lax.axis_index("c")
    s = lax.axis_index("s")
    wid = c * NS + s
    pltpu.sync_copy(zvec_hbm, deg_sm.at[pl.ds(s * RPT, RPT)])
    pltpu.sync_copy(dst_hbm.at[wid], dst_loc)
    pltpu.sync_copy(ones_hbm, ones_loc)
    plsc.subcore_barrier()

    def body(j, carry):
        pltpu.sync_copy(ones_loc, deg_sm.at[dst_loc.at[j]], add=True)
        return carry

    lax.fori_loop(0, NCH, body, 0)
    plsc.subcore_barrier()
    pltpu.sync_copy(deg_sm.at[pl.ds(s * RPT, RPT)],
                    deg_out.at[c].at[pl.ds(s * RPT, RPT)])


@functools.partial(
    pl.kernel,
    out_type=jax.ShapeDtypeStruct((NC, NPAD, D), jnp.float32),
    mesh=_mesh,
    scratch_types=[
        pltpu.VMEM((2, NCH, K), jnp.int32),
        pltpu.VMEM((K, D), jnp.float32),
        pltpu.VMEM_SHARED((NPAD, D), jnp.float32),
    ],
)
def _prop_kernel(edge_hbm, z_hbm, zrows_hbm, acc_out, eidx, gbuf, acc_sm):
    c = lax.axis_index("c")
    s = lax.axis_index("s")
    wid = c * NS + s
    pltpu.sync_copy(zrows_hbm, acc_sm.at[pl.ds(s * RPT, RPT)])
    pltpu.sync_copy(edge_hbm.at[wid], eidx)
    plsc.subcore_barrier()

    def body(j, carry):
        pltpu.sync_copy(z_hbm.at[eidx.at[0, j]], gbuf)
        pltpu.sync_copy(gbuf, acc_sm.at[eidx.at[1, j]], add=True)
        return carry

    lax.fori_loop(0, NCH, body, 0)
    plsc.subcore_barrier()
    pltpu.sync_copy(acc_sm.at[pl.ds(s * RPT, RPT)],
                    acc_out.at[c].at[pl.ds(s * RPT, RPT)])


def _dinv_body(deg_ref, o_ref):
    d = deg_ref[0] + deg_ref[1]
    safe = jnp.where(d > 0, d, 1.0)
    o_ref[...] = jnp.where(d > 0, lax.rsqrt(safe), 0.0)


def _prep_body(dinv_ref, x_ref, z_ref):
    z_ref[...] = dinv_ref[...] * x_ref[...]


def _comb_body(acc_ref, dinv_ref, z_ref):
    sblk = acc_ref[0] + acc_ref[1]
    dv = dinv_ref[...]
    z_ref[...] = dv * dv * sblk


def _final_body(a1_ref, a2_ref, a3_ref, dinv_ref, x_ref, o_ref):
    stot = (a1_ref[0] + a1_ref[1] + a2_ref[0] + a2_ref[1]
            + a3_ref[0] + a3_ref[1])
    o_ref[...] = (x_ref[...] + dinv_ref[...] * stot) * 0.25


_RB = 1024
_GRID = NPAD // _RB
_row_spec = pl.BlockSpec((_RB, D), lambda i: (i, 0))
_acc_spec = pl.BlockSpec((NC, _RB, D), lambda i: (0, i, 0))
_sds = lambda: jax.ShapeDtypeStruct((NPAD, D), jnp.float32)

_prep_call = pl.pallas_call(
    _prep_body, grid=(_GRID,), out_shape=_sds(),
    in_specs=[_row_spec, _row_spec], out_specs=_row_spec)

_comb_call = pl.pallas_call(
    _comb_body, grid=(_GRID,), out_shape=_sds(),
    in_specs=[_acc_spec, _row_spec], out_specs=_row_spec)

_final_call = pl.pallas_call(
    _final_body, grid=(_GRID,), out_shape=_sds(),
    in_specs=[_acc_spec, _acc_spec, _acc_spec, _row_spec, _row_spec],
    out_specs=_row_spec)

_dinv_call = pl.pallas_call(
    _dinv_body, out_shape=jax.ShapeDtypeStruct((NPAD // D, D), jnp.float32))


def kernel(edge_index, emb_weight):
    src_rs = edge_index[0].reshape(NW, NCH, K)
    dst_rs = edge_index[1].reshape(NW, NCH, K)
    edges_rs = jnp.stack([src_rs, dst_rs], axis=1)
    ones_k = jnp.ones((K,), jnp.float32)
    zvec = jnp.zeros((RPT,), jnp.float32)
    zrows = jnp.zeros((RPT, D), jnp.float32)
    x0 = jnp.concatenate(
        [emb_weight, jnp.zeros((NPAD - N, D), jnp.float32)], axis=0)

    deg2 = _deg_kernel(dst_rs, ones_k, zvec)
    dinv = _dinv_call(deg2.reshape(NC, NPAD // D, D))
    dinvb = jnp.broadcast_to(dinv.reshape(NPAD, 1), (NPAD, D))

    z = _prep_call(dinvb, x0)
    accs = []
    for _ in range(L):
        acc2 = _prop_kernel(edges_rs, z, zrows)
        accs.append(acc2)
        if len(accs) < L:
            z = _comb_call(acc2, dinvb)
    out = _final_call(accs[0], accs[1], accs[2], dinvb, x0)
    return out[:N]

# --- scband reference (transcript-rebuilt; emitter-appended) ---
"""Pipeline reference for scband-light-gcn-75428215652450 (READ-ONLY COPY).

The authoritative reference and input builder live on the scoring server;
editing this copy changes nothing except your own understanding.
"""

import jax, jax.numpy as jnp
import numpy as np

N = 10000
E = 320000
D = 128
L = 3


def _lg_conv(x, edge_index):
    # Faithful port of PyG LGConv (normalize=True, no self-loops):
    # gcn_norm: deg computed by scatter-add of edge weights (all ones) at dst,
    # norm = deg^{-1/2}[src] * deg^{-1/2}[dst]; message = norm * x[src]; sum-aggregate at dst.
    src = edge_index[0]
    dst = edge_index[1]
    n = x.shape[0]
    ones = jnp.ones((src.shape[0],), dtype=x.dtype)
    deg = jax.ops.segment_sum(ones, dst, num_segments=n)
    deg_inv_sqrt = jnp.where(deg > 0, jax.lax.rsqrt(jnp.where(deg > 0, deg, 1.0)), 0.0)
    norm = deg_inv_sqrt[src] * deg_inv_sqrt[dst]
    msg = x[src] * norm[:, None]
    return jax.ops.segment_sum(msg, dst, num_segments=n)


def setup_inputs(seed: int = 0) -> dict:
    key = jax.random.key(seed)
    k1, k2 = jax.random.split(key)
    edge_index = jax.random.randint(k1, (2, E), 0, N, dtype=jnp.int32)
    # Learned parameter: embedding table, init normal(std=0.01) per nn.init.normal_
    emb_weight = jax.random.normal(k2, (N, D), dtype=jnp.float32) * 0.01
    return {"edge_index": edge_index, "emb_weight": emb_weight}


def reference(edge_index, emb_weight):
    x = emb_weight
    out = x
    for _ in range(L):
        x = _lg_conv(x, edge_index)
        out = out + x
    return out / (L + 1)

if __name__ == "__main__":
    import jax
    _d = setup_inputs()
    print(jax.jit(kernel)(*tuple(_d.values())))

</pallas_src>

<mosaic_0001>
#map = affine_map<(d0, d1) -> (0, 0, 0)>
#map1 = affine_map<(d0, d1) -> (0)>
#map2 = affine_map<(d0, d1) -> (0, 0)>
module attributes {stable_mosaic.version = 14 : i64} {
  func.func @_deg_kernel(%arg0: i32, %arg1: i32, %arg2: memref<32x80x125xi32, #tpu.memory_space<hbm>>, %arg3: memref<125xf32, #tpu.memory_space<hbm>>, %arg4: memref<640xf32, #tpu.memory_space<hbm>>, %arg5: memref<2x10240xf32, #tpu.memory_space<hbm>>, %arg6: memref<80x125xi32, #tpu.memory_space<vmem>>, %arg7: memref<125xf32, #tpu.memory_space<vmem>>, %arg8: memref<10240xf32, #tpu.memory_space<vmem_shared>>) attributes {dimension_semantics = [#tpu.dimension_semantics<core_parallel>, #tpu.dimension_semantics<subcore_parallel>], iteration_bounds = array<i64: 2, 16>, scalar_prefetch = 0 : i64, scratch_operands = 3 : i64, tpu.core_type = #tpu.core_type<sc_vector_subcore>, window_params = [{transform_indices = #map}, {transform_indices = #map1}, {transform_indices = #map1}, {transform_indices = #map2}]} {
    %mul3A = arith.constant 16 : i32
    %mul3A_0 = arith.muli %arg0, %mul3A : i32
    %add3A = arith.addi %mul3A_0, %arg1 : i32
    %mul3A_1 = arith.constant 640 : i32
    %mul3A_2 = arith.muli %arg1, %mul3A_1 : i32
    "tpu.region"() ({
      %run_scoped3A = tpu.sem_alloc : memref<!tpu.dma_semaphore, #tpu.memory_space<semaphore_mem>>
      %dma_start3A = tpu.memref_slice %arg8[%mul3A_2] : memref<10240xf32, #tpu.memory_space<vmem_shared>> -> memref<640xf32, #tpu.memory_space<vmem_shared>>
      tpu.enqueue_dma source(%arg4 : memref<640xf32, #tpu.memory_space<hbm>>) target(%dma_start3A : memref<640xf32, #tpu.memory_space<vmem_shared>>) target_semaphore(%run_scoped3A : memref<!tpu.dma_semaphore, #tpu.memory_space<semaphore_mem>>)
      %dma_wait3A = tpu.memref_slice %arg8[%mul3A_2] : memref<10240xf32, #tpu.memory_space<vmem_shared>> -> memref<640xf32, #tpu.memory_space<vmem_shared>>
      tpu.wait_dma2 semaphore(%run_scoped3A : memref<!tpu.dma_semaphore, #tpu.memory_space<semaphore_mem>>) src(%arg4 : memref<640xf32, #tpu.memory_space<hbm>>) dst(%dma_wait3A : memref<640xf32, #tpu.memory_space<vmem_shared>>)
      tpu.yield
    }) : () -> ()
    "tpu.region"() ({
      %run_scoped3A = tpu.sem_alloc : memref<!tpu.dma_semaphore, #tpu.memory_space<semaphore_mem>>
      %dma_start3A = arith.constant 0 : i32
      %dma_start3A_13 = arith.constant 0 : i32
      %dma_start3A_14 = tpu.memref_slice %arg2[%add3A, %dma_start3A, %dma_start3A_13] : memref<32x80x125xi32, #tpu.memory_space<hbm>> -> memref<1x80x125xi32, #tpu.memory_space<hbm>>
      %dma_start3A_15 = tpu.memref_squeeze %dma_start3A_14 : memref<1x80x125xi32, #tpu.memory_space<hbm>> -> memref<80x125xi32, #tpu.memory_space<hbm>>
      %dma_start3A_16 = arith.constant 0 : i32
      %dma_start3A_17 = arith.constant 0 : i32
      %dma_start3A_18 = tpu.memref_slice %arg2[%add3A, %dma_start3A_16, %dma_start3A_17] : memref<32x80x125xi32, #tpu.memory_space<hbm>> -> memref<1x80x125xi32, #tpu.memory_space<hbm>>
      %dma_start3A_19 = tpu.memref_squeeze %dma_start3A_18 : memref<1x80x125xi32, #tpu.memory_space<hbm>> -> memref<80x125xi32, #tpu.memory_space<hbm>>
      tpu.enqueue_dma source(%dma_start3A_19 : memref<80x125xi32, #tpu.memory_space<hbm>>) target(%arg6 : memref<80x125xi32, #tpu.memory_space<vmem>>) target_semaphore(%run_scoped3A : memref<!tpu.dma_semaphore, #tpu.memory_space<semaphore_mem>>)
      %dma_wait3A = arith.constant 0 : i32
      %dma_wait3A_20 = arith.constant 0 : i32
      %dma_wait3A_21 = tpu.memref_slice %arg2[%add3A, %dma_wait3A, %dma_wait3A_20] : memref<32x80x125xi32, #tpu.memory_space<hbm>> -> memref<1x80x125xi32, #tpu.memory_space<hbm>>
      %dma_wait3A_22 = tpu.memref_squeeze %dma_wait3A_21 : memref<1x80x125xi32, #tpu.memory_space<hbm>> -> memref<80x125xi32, #tpu.memory_space<hbm>>
      %dma_wait3A_23 = arith.constant 0 : i32
      %dma_wait3A_24 = arith.constant 0 : i32
      %dma_wait3A_25 = tpu.memref_slice %arg2[%add3A, %dma_wait3A_23, %dma_wait3A_24] : memref<32x80x125xi32, #tpu.memory_space<hbm>> -> memref<1x80x125xi32, #tpu.memory_space<hbm>>
      %dma_wait3A_26 = tpu.memref_squeeze %dma_wait3A_25 : memref<1x80x125xi32, #tpu.memory_space<hbm>> -> memref<80x125xi32, #tpu.memory_space<hbm>>
      tpu.wait_dma2 semaphore(%run_scoped3A : memref<!tpu.dma_semaphore, #tpu.memory_space<semaphore_mem>>) src(%dma_wait3A_26 : memref<80x125xi32, #tpu.memory_space<hbm>>) dst(%arg6 : memref<80x125xi32, #tpu.memory_space<vmem>>)
      tpu.yield
    }) : () -> ()
    "tpu.region"() ({
      %run_scoped3A = tpu.sem_alloc : memref<!tpu.dma_semaphore, #tpu.memory_space<semaphore_mem>>
      tpu.enqueue_dma source(%arg3 : memref<125xf32, #tpu.memory_space<hbm>>) target(%arg7 : memref<125xf32, #tpu.memory_space<vmem>>) target_semaphore(%run_scoped3A : memref<!tpu.dma_semaphore, #tpu.memory_space<semaphore_mem>>)
      tpu.wait_dma2 semaphore(%run_scoped3A : memref<!tpu.dma_semaphore, #tpu.memory_space<semaphore_mem>>) src(%arg3 : memref<125xf32, #tpu.memory_space<hbm>>) dst(%arg7 : memref<125xf32, #tpu.memory_space<vmem>>)
      tpu.yield
    }) : () -> ()
    %barrier3A = arith.constant 0 : index
    tpu.barrier barrier_id(%barrier3A)
    %scan3A = arith.constant 0 : i32
    %scan3A_3 = arith.constant 0 : i32
    %scan3A_4 = arith.constant 80 : i32
    %scan3A_5 = arith.addi %scan3A_3, %scan3A_4 : i32
    %scan3A_6 = arith.constant 1 : i32
    scf.for %scan3A_13 = %scan3A_3 to %scan3A_5 step %scan3A_6  : i32 {
      "tpu.region"() ({
        %run_scoped3A = tpu.sem_alloc : memref<!tpu.dma_semaphore, #tpu.memory_space<semaphore_mem>>
        %dma_start3A = arith.constant 0 : i32
        %dma_start3A_14 = tpu.memref_slice %arg6[%scan3A_13, %dma_start3A] : memref<80x125xi32, #tpu.memory_space<vmem>> -> memref<1x125xi32, #tpu.memory_space<vmem>>
        %dma_start3A_15 = tpu.memref_squeeze %dma_start3A_14 : memref<1x125xi32, #tpu.memory_space<vmem>> -> memref<125xi32, #tpu.memory_space<vmem>>
        %dma_start3A_16 = arith.constant 0 : i32
        %dma_start3A_17 = tpu.memref_slice %arg8[%dma_start3A_16] : memref<10240xf32, #tpu.memory_space<vmem_shared>> -> memref<10240xf32, #tpu.memory_space<vmem_shared>>
        tpu.enqueue_indirect_dma source(%arg7 : memref<125xf32, #tpu.memory_space<vmem>>) target(%dma_start3A_17 : memref<10240xf32, #tpu.memory_space<vmem_shared>>) offsets(%dma_start3A_15 : memref<125xi32, #tpu.memory_space<vmem>>) semaphore(%run_scoped3A : memref<!tpu.dma_semaphore, #tpu.memory_space<semaphore_mem>>) {add = true}
        %dma_wait3A = arith.constant 0 : i32
        %dma_wait3A_18 = tpu.memref_slice %arg6[%scan3A_13, %dma_wait3A] : memref<80x125xi32, #tpu.memory_space<vmem>> -> memref<1x125xi32, #tpu.memory_space<vmem>>
        %dma_wait3A_19 = tpu.memref_squeeze %dma_wait3A_18 : memref<1x125xi32, #tpu.memory_space<vmem>> -> memref<125xi32, #tpu.memory_space<vmem>>
        %dma_wait3A_20 = arith.constant 0 : i32
        %dma_wait3A_21 = tpu.memref_slice %arg8[%dma_wait3A_20] : memref<10240xf32, #tpu.memory_space<vmem_shared>> -> memref<10240xf32, #tpu.memory_space<vmem_shared>>
        tpu.wait_indirect_dma semaphore(%run_scoped3A : memref<!tpu.dma_semaphore, #tpu.memory_space<semaphore_mem>>) src(%arg7 : memref<125xf32, #tpu.memory_space<vmem>>) dst(%dma_wait3A_21 : memref<10240xf32, #tpu.memory_space<vmem_shared>>)
        tpu.yield
      }) : () -> ()
    }
    %scan3A_7 = arith.constant 80 : i32
    %barrier3A_8 = arith.constant 0 : index
    tpu.barrier barrier_id(%barrier3A_8)
    %mul3A_9 = arith.constant 640 : i32
    %mul3A_10 = arith.muli %arg1, %mul3A_9 : i32
    %mul3A_11 = arith.constant 640 : i32
    %mul3A_12 = arith.muli %arg1, %mul3A_11 : i32
    "tpu.region"() ({
      %run_scoped3A = tpu.sem_alloc : memref<!tpu.dma_semaphore, #tpu.memory_space<semaphore_mem>>
      %dma_start3A = arith.constant 0 : i32
      %dma_start3A_13 = tpu.memref_slice %arg5[%arg0, %dma_start3A] : memref<2x10240xf32, #tpu.memory_space<hbm>> -> memref<1x10240xf32, #tpu.memory_space<hbm>>
      %dma_start3A_14 = tpu.memref_squeeze %dma_start3A_13 : memref<1x10240xf32, #tpu.memory_space<hbm>> -> memref<10240xf32, #tpu.memory_space<hbm>>
      %dma_start3A_15 = tpu.memref_slice %dma_start3A_14[%mul3A_12] : memref<10240xf32, #tpu.memory_space<hbm>> -> memref<640xf32, #tpu.memory_space<hbm>>
      %dma_start3A_16 = tpu.memref_slice %arg8[%mul3A_10] : memref<10240xf32, #tpu.memory_space<vmem_shared>> -> memref<640xf32, #tpu.memory_space<vmem_shared>>
      tpu.enqueue_dma source(%dma_start3A_16 : memref<640xf32, #tpu.memory_space<vmem_shared>>) target(%dma_start3A_15 : memref<640xf32, #tpu.memory_space<hbm>>) target_semaphore(%run_scoped3A : memref<!tpu.dma_semaphore, #tpu.memory_space<semaphore_mem>>)
      %dma_wait3A = arith.constant 0 : i32
      %dma_wait3A_17 = tpu.memref_slice %arg5[%arg0, %dma_wait3A] : memref<2x10240xf32, #tpu.memory_space<hbm>> -> memref<1x10240xf32, #tpu.memory_space<hbm>>
      %dma_wait3A_18 = tpu.memref_squeeze %dma_wait3A_17 : memref<1x10240xf32, #tpu.memory_space<hbm>> -> memref<10240xf32, #tpu.memory_space<hbm>>
      %dma_wait3A_19 = tpu.memref_slice %dma_wait3A_18[%mul3A_12] : memref<10240xf32, #tpu.memory_space<hbm>> -> memref<640xf32, #tpu.memory_space<hbm>>
      %dma_wait3A_20 = tpu.memref_slice %arg8[%mul3A_10] : memref<10240xf32, #tpu.memory_space<vmem_shared>> -> memref<640xf32, #tpu.memory_space<vmem_shared>>
      tpu.wait_dma2 semaphore(%run_scoped3A : memref<!tpu.dma_semaphore, #tpu.memory_space<semaphore_mem>>) src(%dma_wait3A_20 : memref<640xf32, #tpu.memory_space<vmem_shared>>) dst(%dma_wait3A_19 : memref<640xf32, #tpu.memory_space<hbm>>)
      tpu.yield
    }) : () -> ()
    return
  }
}

#map = affine_map<(d0, d1) -> (0, 0, 0, 0)>
#map1 = affine_map<(d0, d1) -> (0, 0)>
#map2 = affine_map<(d0, d1) -> (0, 0, 0)>
module attributes {stable_mosaic.version = 14 : i64} {
  func.func @_prop_kernel(%arg0: i32, %arg1: i32, %arg2: memref<32x2x80x125xi32, #tpu.memory_space<hbm>>, %arg3: memref<10240x128xf32, #tpu.memory_space<hbm>>, %arg4: memref<640x128xf32, #tpu.memory_space<hbm>>, %arg5: memref<2x10240x128xf32, #tpu.memory_space<hbm>>, %arg6: memref<2x80x125xi32, #tpu.memory_space<vmem>>, %arg7: memref<125x128xf32, #tpu.memory_space<vmem>>, %arg8: memref<10240x128xf32, #tpu.memory_space<vmem_shared>>) attributes {dimension_semantics = [#tpu.dimension_semantics<core_parallel>, #tpu.dimension_semantics<subcore_parallel>], iteration_bounds = array<i64: 2, 16>, scalar_prefetch = 0 : i64, scratch_operands = 3 : i64, tpu.core_type = #tpu.core_type<sc_vector_subcore>, window_params = [{transform_indices = #map}, {transform_indices = #map1}, {transform_indices = #map1}, {transform_indices = #map2}]} {
    %mul3A = arith.constant 16 : i32
    %mul3A_0 = arith.muli %arg0, %mul3A : i32
    %add3A = arith.addi %mul3A_0, %arg1 : i32
    %mul3A_1 = arith.constant 640 : i32
    %mul3A_2 = arith.muli %arg1, %mul3A_1 : i32
    "tpu.region"() ({
      %run_scoped3A = tpu.sem_alloc : memref<!tpu.dma_semaphore, #tpu.memory_space<semaphore_mem>>
      %dma_start3A = arith.constant 0 : i32
      %dma_start3A_13 = tpu.memref_slice %arg8[%mul3A_2, %dma_start3A] : memref<10240x128xf32, #tpu.memory_space<vmem_shared>> -> memref<640x128xf32, #tpu.memory_space<vmem_shared>>
      tpu.enqueue_dma source(%arg4 : memref<640x128xf32, #tpu.memory_space<hbm>>) target(%dma_start3A_13 : memref<640x128xf32, #tpu.memory_space<vmem_shared>>) target_semaphore(%run_scoped3A : memref<!tpu.dma_semaphore, #tpu.memory_space<semaphore_mem>>)
      %dma_wait3A = arith.constant 0 : i32
      %dma_wait3A_14 = tpu.memref_slice %arg8[%mul3A_2, %dma_wait3A] : memref<10240x128xf32, #tpu.memory_space<vmem_shared>> -> memref<640x128xf32, #tpu.memory_space<vmem_shared>>
      tpu.wait_dma2 semaphore(%run_scoped3A : memref<!tpu.dma_semaphore, #tpu.memory_space<semaphore_mem>>) src(%arg4 : memref<640x128xf32, #tpu.memory_space<hbm>>) dst(%dma_wait3A_14 : memref<640x128xf32, #tpu.memory_space<vmem_shared>>)
      tpu.yield
    }) : () -> ()
    "tpu.region"() ({
      %run_scoped3A = tpu.sem_alloc : memref<!tpu.dma_semaphore, #tpu.memory_space<semaphore_mem>>
      %dma_start3A = arith.constant 0 : i32
      %dma_start3A_13 = arith.constant 0 : i32
      %dma_start3A_14 = arith.constant 0 : i32
      %dma_start3A_15 = tpu.memref_slice %arg2[%add3A, %dma_start3A, %dma_start3A_13, %dma_start3A_14] : memref<32x2x80x125xi32, #tpu.memory_space<hbm>> -> memref<1x2x80x125xi32, #tpu.memory_space<hbm>>
      %dma_start3A_16 = tpu.memref_squeeze %dma_start3A_15 : memref<1x2x80x125xi32, #tpu.memory_space<hbm>> -> memref<2x80x125xi32, #tpu.memory_space<hbm>>
      %dma_start3A_17 = arith.constant 0 : i32
      %dma_start3A_18 = arith.constant 0 : i32
      %dma_start3A_19 = arith.constant 0 : i32
      %dma_start3A_20 = tpu.memref_slice %arg2[%add3A, %dma_start3A_17, %dma_start3A_18, %dma_start3A_19] : memref<32x2x80x125xi32, #tpu.memory_space<hbm>> -> memref<1x2x80x125xi32, #tpu.memory_space<hbm>>
      %dma_start3A_21 = tpu.memref_squeeze %dma_start3A_20 : memref<1x2x80x125xi32, #tpu.memory_space<hbm>> -> memref<2x80x125xi32, #tpu.memory_space<hbm>>
      tpu.enqueue_dma source(%dma_start3A_21 : memref<2x80x125xi32, #tpu.memory_space<hbm>>) target(%arg6 : memref<2x80x125xi32, #tpu.memory_space<vmem>>) target_semaphore(%run_scoped3A : memref<!tpu.dma_semaphore, #tpu.memory_space<semaphore_mem>>)
      %dma_wait3A = arith.constant 0 : i32
      %dma_wait3A_22 = arith.constant 0 : i32
      %dma_wait3A_23 = arith.constant 0 : i32
      %dma_wait3A_24 = tpu.memref_slice %arg2[%add3A, %dma_wait3A, %dma_wait3A_22, %dma_wait3A_23] : memref<32x2x80x125xi32, #tpu.memory_space<hbm>> -> memref<1x2x80x125xi32, #tpu.memory_space<hbm>>
      %dma_wait3A_25 = tpu.memref_squeeze %dma_wait3A_24 : memref<1x2x80x125xi32, #tpu.memory_space<hbm>> -> memref<2x80x125xi32, #tpu.memory_space<hbm>>
      %dma_wait3A_26 = arith.constant 0 : i32
      %dma_wait3A_27 = arith.constant 0 : i32
      %dma_wait3A_28 = arith.constant 0 : i32
      %dma_wait3A_29 = tpu.memref_slice %arg2[%add3A, %dma_wait3A_26, %dma_wait3A_27, %dma_wait3A_28] : memref<32x2x80x125xi32, #tpu.memory_space<hbm>> -> memref<1x2x80x125xi32, #tpu.memory_space<hbm>>
      %dma_wait3A_30 = tpu.memref_squeeze %dma_wait3A_29 : memref<1x2x80x125xi32, #tpu.memory_space<hbm>> -> memref<2x80x125xi32, #tpu.memory_space<hbm>>
      tpu.wait_dma2 semaphore(%run_scoped3A : memref<!tpu.dma_semaphore, #tpu.memory_space<semaphore_mem>>) src(%dma_wait3A_30 : memref<2x80x125xi32, #tpu.memory_space<hbm>>) dst(%arg6 : memref<2x80x125xi32, #tpu.memory_space<vmem>>)
      tpu.yield
    }) : () -> ()
    %barrier3A = arith.constant 0 : index
    tpu.barrier barrier_id(%barrier3A)
    %scan3A = arith.constant 0 : i32
    %scan3A_3 = arith.constant 0 : i32
    %scan3A_4 = arith.constant 80 : i32
    %scan3A_5 = arith.addi %scan3A_3, %scan3A_4 : i32
    %scan3A_6 = arith.constant 1 : i32
    scf.for %scan3A_13 = %scan3A_3 to %scan3A_5 step %scan3A_6  : i32 {
      %run_scoped3A = arith.constant 0 : i32
      "tpu.region"() ({
        %run_scoped3A_15 = tpu.sem_alloc : memref<!tpu.dma_semaphore, #tpu.memory_space<semaphore_mem>>
        %dma_start3A = arith.constant 0 : i32
        %dma_start3A_16 = tpu.memref_slice %arg6[%run_scoped3A, %scan3A_13, %dma_start3A] : memref<2x80x125xi32, #tpu.memory_space<vmem>> -> memref<1x1x125xi32, #tpu.memory_space<vmem>>
        %dma_start3A_17 = tpu.memref_squeeze %dma_start3A_16 : memref<1x1x125xi32, #tpu.memory_space<vmem>> -> memref<125xi32, #tpu.memory_space<vmem>>
        %dma_start3A_18 = arith.constant 0 : i32
        %dma_start3A_19 = arith.constant 0 : i32
        %dma_start3A_20 = tpu.memref_slice %arg3[%dma_start3A_18, %dma_start3A_19] : memref<10240x128xf32, #tpu.memory_space<hbm>> -> memref<10240x128xf32, #tpu.memory_space<hbm>>
        tpu.enqueue_indirect_dma source(%dma_start3A_20 : memref<10240x128xf32, #tpu.memory_space<hbm>>) target(%arg7 : memref<125x128xf32, #tpu.memory_space<vmem>>) offsets(%dma_start3A_17 : memref<125xi32, #tpu.memory_space<vmem>>) semaphore(%run_scoped3A_15 : memref<!tpu.dma_semaphore, #tpu.memory_space<semaphore_mem>>)
        %dma_wait3A = arith.constant 0 : i32
        %dma_wait3A_21 = tpu.memref_slice %arg6[%run_scoped3A, %scan3A_13, %dma_wait3A] : memref<2x80x125xi32, #tpu.memory_space<vmem>> -> memref<1x1x125xi32, #tpu.memory_space<vmem>>
        %dma_wait3A_22 = tpu.memref_squeeze %dma_wait3A_21 : memref<1x1x125xi32, #tpu.memory_space<vmem>> -> memref<125xi32, #tpu.memory_space<vmem>>
        %dma_wait3A_23 = arith.constant 0 : i32
        %dma_wait3A_24 = arith.constant 0 : i32
        %dma_wait3A_25 = tpu.memref_slice %arg3[%dma_wait3A_23, %dma_wait3A_24] : memref<10240x128xf32, #tpu.memory_space<hbm>> -> memref<10240x128xf32, #tpu.memory_space<hbm>>
        tpu.wait_indirect_dma semaphore(%run_scoped3A_15 : memref<!tpu.dma_semaphore, #tpu.memory_space<semaphore_mem>>) src(%dma_wait3A_25 : memref<10240x128xf32, #tpu.memory_space<hbm>>) dst(%arg7 : memref<125x128xf32, #tpu.memory_space<vmem>>)
        tpu.yield
      }) : () -> ()
      %run_scoped3A_14 = arith.constant 1 : i32
      "tpu.region"() ({
        %run_scoped3A_15 = tpu.sem_alloc : memref<!tpu.dma_semaphore, #tpu.memory_space<semaphore_mem>>
        %dma_start3A = arith.constant 0 : i32
        %dma_start3A_16 = tpu.memref_slice %arg6[%run_scoped3A_14, %scan3A_13, %dma_start3A] : memref<2x80x125xi32, #tpu.memory_space<vmem>> -> memref<1x1x125xi32, #tpu.memory_space<vmem>>
        %dma_start3A_17 = tpu.memref_squeeze %dma_start3A_16 : memref<1x1x125xi32, #tpu.memory_space<vmem>> -> memref<125xi32, #tpu.memory_space<vmem>>
        %dma_start3A_18 = arith.constant 0 : i32
        %dma_start3A_19 = arith.constant 0 : i32
        %dma_start3A_20 = tpu.memref_slice %arg8[%dma_start3A_18, %dma_start3A_19] : memref<10240x128xf32, #tpu.memory_space<vmem_shared>> -> memref<10240x128xf32, #tpu.memory_space<vmem_shared>>
        tpu.enqueue_indirect_dma source(%arg7 : memref<125x128xf32, #tpu.memory_space<vmem>>) target(%dma_start3A_20 : memref<10240x128xf32, #tpu.memory_space<vmem_shared>>) offsets(%dma_start3A_17 : memref<125xi32, #tpu.memory_space<vmem>>) semaphore(%run_scoped3A_15 : memref<!tpu.dma_semaphore, #tpu.memory_space<semaphore_mem>>) {add = true}
        %dma_wait3A = arith.constant 0 : i32
        %dma_wait3A_21 = tpu.memref_slice %arg6[%run_scoped3A_14, %scan3A_13, %dma_wait3A] : memref<2x80x125xi32, #tpu.memory_space<vmem>> -> memref<1x1x125xi32, #tpu.memory_space<vmem>>
        %dma_wait3A_22 = tpu.memref_squeeze %dma_wait3A_21 : memref<1x1x125xi32, #tpu.memory_space<vmem>> -> memref<125xi32, #tpu.memory_space<vmem>>
        %dma_wait3A_23 = arith.constant 0 : i32
        %dma_wait3A_24 = arith.constant 0 : i32
        %dma_wait3A_25 = tpu.memref_slice %arg8[%dma_wait3A_23, %dma_wait3A_24] : memref<10240x128xf32, #tpu.memory_space<vmem_shared>> -> memref<10240x128xf32, #tpu.memory_space<vmem_shared>>
        tpu.wait_indirect_dma semaphore(%run_scoped3A_15 : memref<!tpu.dma_semaphore, #tpu.memory_space<semaphore_mem>>) src(%arg7 : memref<125x128xf32, #tpu.memory_space<vmem>>) dst(%dma_wait3A_25 : memref<10240x128xf32, #tpu.memory_space<vmem_shared>>)
        tpu.yield
      }) : () -> ()
    }
    %scan3A_7 = arith.constant 80 : i32
    %barrier3A_8 = arith.constant 0 : index
    tpu.barrier barrier_id(%barrier3A_8)
    %mul3A_9 = arith.constant 640 : i32
    %mul3A_10 = arith.muli %arg1, %mul3A_9 : i32
    %mul3A_11 = arith.constant 640 : i32
    %mul3A_12 = arith.muli %arg1, %mul3A_11 : i32
    "tpu.region"() ({
      %run_scoped3A = tpu.sem_alloc : memref<!tpu.dma_semaphore, #tpu.memory_space<semaphore_mem>>
      %dma_start3A = arith.constant 0 : i32
      %dma_start3A_13 = arith.constant 0 : i32
      %dma_start3A_14 = tpu.memref_slice %arg5[%arg0, %dma_start3A, %dma_start3A_13] : memref<2x10240x128xf32, #tpu.memory_space<hbm>> -> memref<1x10240x128xf32, #tpu.memory_space<hbm>>
      %dma_start3A_15 = tpu.memref_squeeze %dma_start3A_14 : memref<1x10240x128xf32, #tpu.memory_space<hbm>> -> memref<10240x128xf32, #tpu.memory_space<hbm>>
      %dma_start3A_16 = arith.constant 0 : i32
      %dma_start3A_17 = tpu.memref_slice %dma_start3A_15[%mul3A_12, %dma_start3A_16] : memref<10240x128xf32, #tpu.memory_space<hbm>> -> memref<640x128xf32, #tpu.memory_space<hbm>>
      %dma_start3A_18 = arith.constant 0 : i32
      %dma_start3A_19 = tpu.memref_slice %arg8[%mul3A_10, %dma_start3A_18] : memref<10240x128xf32, #tpu.memory_space<vmem_shared>> -> memref<640x128xf32, #tpu.memory_space<vmem_shared>>
      tpu.enqueue_dma source(%dma_start3A_19 : memref<640x128xf32, #tpu.memory_space<vmem_shared>>) target(%dma_start3A_17 : memref<640x128xf32, #tpu.memory_space<hbm>>) target_semaphore(%run_scoped3A : memref<!tpu.dma_semaphore, #tpu.memory_space<semaphore_mem>>)
      %dma_wait3A = arith.constant 0 : i32
      %dma_wait3A_20 = arith.constant 0 : i32
      %dma_wait3A_21 = tpu.memref_slice %arg5[%arg0, %dma_wait3A, %dma_wait3A_20] : memref<2x10240x128xf32, #tpu.memory_space<hbm>> -> memref<1x10240x128xf32, #tpu.memory_space<hbm>>
      %dma_wait3A_22 = tpu.memref_squeeze %dma_wait3A_21 : memref<1x10240x128xf32, #tpu.memory_space<hbm>> -> memref<10240x128xf32, #tpu.memory_space<hbm>>
      %dma_wait3A_23 = arith.constant 0 : i32
      %dma_wait3A_24 = tpu.memref_slice %dma_wait3A_22[%mul3A_12, %dma_wait3A_23] : memref<10240x128xf32, #tpu.memory_space<hbm>> -> memref<640x128xf32, #tpu.memory_space<hbm>>
      %dma_wait3A_25 = arith.constant 0 : i32
      %dma_wait3A_26 = tpu.memref_slice %arg8[%mul3A_10, %dma_wait3A_25] : memref<10240x128xf32, #tpu.memory_space<vmem_shared>> -> memref<640x128xf32, #tpu.memory_space<vmem_shared>>
      tpu.wait_dma2 semaphore(%run_scoped3A : memref<!tpu.dma_semaphore, #tpu.memory_space<semaphore_mem>>) src(%dma_wait3A_26 : memref<640x128xf32, #tpu.memory_space<vmem_shared>>) dst(%dma_wait3A_24 : memref<640x128xf32, #tpu.memory_space<hbm>>)
      tpu.yield
    }) : () -> ()
    return
  }
}

#map = affine_map<(d0, d1) -> (0, 0, 0, 0)>
#map1 = affine_map<(d0, d1) -> (0, 0)>
#map2 = affine_map<(d0, d1) -> (0, 0, 0)>
module attributes {stable_mosaic.version = 14 : i64} {
  func.func @_prop_kernel(%arg0: i32, %arg1: i32, %arg2: memref<32x2x80x125xi32, #tpu.memory_space<hbm>>, %arg3: memref<10240x128xf32, #tpu.memory_space<hbm>>, %arg4: memref<640x128xf32, #tpu.memory_space<hbm>>, %arg5: memref<2x10240x128xf32, #tpu.memory_space<hbm>>, %arg6: memref<2x80x125xi32, #tpu.memory_space<vmem>>, %arg7: memref<125x128xf32, #tpu.memory_space<vmem>>, %arg8: memref<10240x128xf32, #tpu.memory_space<vmem_shared>>) attributes {dimension_semantics = [#tpu.dimension_semantics<core_parallel>, #tpu.dimension_semantics<subcore_parallel>], iteration_bounds = array<i64: 2, 16>, scalar_prefetch = 0 : i64, scratch_operands = 3 : i64, tpu.core_type = #tpu.core_type<sc_vector_subcore>, window_params = [{transform_indices = #map}, {transform_indices = #map1}, {transform_indices = #map1}, {transform_indices = #map2}]} {
    %mul3A = arith.constant 16 : i32
    %mul3A_0 = arith.muli %arg0, %mul3A : i32
    %add3A = arith.addi %mul3A_0, %arg1 : i32
    %mul3A_1 = arith.constant 640 : i32
    %mul3A_2 = arith.muli %arg1, %mul3A_1 : i32
    "tpu.region"() ({
      %run_scoped3A = tpu.sem_alloc : memref<!tpu.dma_semaphore, #tpu.memory_space<semaphore_mem>>
      %dma_start3A = arith.constant 0 : i32
      %dma_start3A_13 = tpu.memref_slice %arg8[%mul3A_2, %dma_start3A] : memref<10240x128xf32, #tpu.memory_space<vmem_shared>> -> memref<640x128xf32, #tpu.memory_space<vmem_shared>>
      tpu.enqueue_dma source(%arg4 : memref<640x128xf32, #tpu.memory_space<hbm>>) target(%dma_start3A_13 : memref<640x128xf32, #tpu.memory_space<vmem_shared>>) target_semaphore(%run_scoped3A : memref<!tpu.dma_semaphore, #tpu.memory_space<semaphore_mem>>)
      %dma_wait3A = arith.constant 0 : i32
      %dma_wait3A_14 = tpu.memref_slice %arg8[%mul3A_2, %dma_wait3A] : memref<10240x128xf32, #tpu.memory_space<vmem_shared>> -> memref<640x128xf32, #tpu.memory_space<vmem_shared>>
      tpu.wait_dma2 semaphore(%run_scoped3A : memref<!tpu.dma_semaphore, #tpu.memory_space<semaphore_mem>>) src(%arg4 : memref<640x128xf32, #tpu.memory_space<hbm>>) dst(%dma_wait3A_14 : memref<640x128xf32, #tpu.memory_space<vmem_shared>>)
      tpu.yield
    }) : () -> ()
    "tpu.region"() ({
      %run_scoped3A = tpu.sem_alloc : memref<!tpu.dma_semaphore, #tpu.memory_space<semaphore_mem>>
      %dma_start3A = arith.constant 0 : i32
      %dma_start3A_13 = arith.constant 0 : i32
      %dma_start3A_14 = arith.constant 0 : i32
      %dma_start3A_15 = tpu.memref_slice %arg2[%add3A, %dma_start3A, %dma_start3A_13, %dma_start3A_14] : memref<32x2x80x125xi32, #tpu.memory_space<hbm>> -> memref<1x2x80x125xi32, #tpu.memory_space<hbm>>
      %dma_start3A_16 = tpu.memref_squeeze %dma_start3A_15 : memref<1x2x80x125xi32, #tpu.memory_space<hbm>> -> memref<2x80x125xi32, #tpu.memory_space<hbm>>
      %dma_start3A_17 = arith.constant 0 : i32
      %dma_start3A_18 = arith.constant 0 : i32
      %dma_start3A_19 = arith.constant 0 : i32
      %dma_start3A_20 = tpu.memref_slice %arg2[%add3A, %dma_start3A_17, %dma_start3A_18, %dma_start3A_19] : memref<32x2x80x125xi32, #tpu.memory_space<hbm>> -> memref<1x2x80x125xi32, #tpu.memory_space<hbm>>
      %dma_start3A_21 = tpu.memref_squeeze %dma_start3A_20 : memref<1x2x80x125xi32, #tpu.memory_space<hbm>> -> memref<2x80x125xi32, #tpu.memory_space<hbm>>
      tpu.enqueue_dma source(%dma_start3A_21 : memref<2x80x125xi32, #tpu.memory_space<hbm>>) target(%arg6 : memref<2x80x125xi32, #tpu.memory_space<vmem>>) target_semaphore(%run_scoped3A : memref<!tpu.dma_semaphore, #tpu.memory_space<semaphore_mem>>)
      %dma_wait3A = arith.constant 0 : i32
      %dma_wait3A_22 = arith.constant 0 : i32
      %dma_wait3A_23 = arith.constant 0 : i32
      %dma_wait3A_24 = tpu.memref_slice %arg2[%add3A, %dma_wait3A, %dma_wait3A_22, %dma_wait3A_23] : memref<32x2x80x125xi32, #tpu.memory_space<hbm>> -> memref<1x2x80x125xi32, #tpu.memory_space<hbm>>
      %dma_wait3A_25 = tpu.memref_squeeze %dma_wait3A_24 : memref<1x2x80x125xi32, #tpu.memory_space<hbm>> -> memref<2x80x125xi32, #tpu.memory_space<hbm>>
      %dma_wait3A_26 = arith.constant 0 : i32
      %dma_wait3A_27 = arith.constant 0 : i32
      %dma_wait3A_28 = arith.constant 0 : i32
      %dma_wait3A_29 = tpu.memref_slice %arg2[%add3A, %dma_wait3A_26, %dma_wait3A_27, %dma_wait3A_28] : memref<32x2x80x125xi32, #tpu.memory_space<hbm>> -> memref<1x2x80x125xi32, #tpu.memory_space<hbm>>
      %dma_wait3A_30 = tpu.memref_squeeze %dma_wait3A_29 : memref<1x2x80x125xi32, #tpu.memory_space<hbm>> -> memref<2x80x125xi32, #tpu.memory_space<hbm>>
      tpu.wait_dma2 semaphore(%run_scoped3A : memref<!tpu.dma_semaphore, #tpu.memory_space<semaphore_mem>>) src(%dma_wait3A_30 : memref<2x80x125xi32, #tpu.memory_space<hbm>>) dst(%arg6 : memref<2x80x125xi32, #tpu.memory_space<vmem>>)
      tpu.yield
    }) : () -> ()
    %barrier3A = arith.constant 0 : index
    tpu.barrier barrier_id(%barrier3A)
    %scan3A = arith.constant 0 : i32
    %scan3A_3 = arith.constant 0 : i32
    %scan3A_4 = arith.constant 80 : i32
    %scan3A_5 = arith.addi %scan3A_3, %scan3A_4 : i32
    %scan3A_6 = arith.constant 1 : i32
    scf.for %scan3A_13 = %scan3A_3 to %scan3A_5 step %scan3A_6  : i32 {
      %run_scoped3A = arith.constant 0 : i32
      "tpu.region"() ({
        %run_scoped3A_15 = tpu.sem_alloc : memref<!tpu.dma_semaphore, #tpu.memory_space<semaphore_mem>>
        %dma_start3A = arith.constant 0 : i32
        %dma_start3A_16 = tpu.memref_slice %arg6[%run_scoped3A, %scan3A_13, %dma_start3A] : memref<2x80x125xi32, #tpu.memory_space<vmem>> -> memref<1x1x125xi32, #tpu.memory_space<vmem>>
        %dma_start3A_17 = tpu.memref_squeeze %dma_start3A_16 : memref<1x1x125xi32, #tpu.memory_space<vmem>> -> memref<125xi32, #tpu.memory_space<vmem>>
        %dma_start3A_18 = arith.constant 0 : i32
        %dma_start3A_19 = arith.constant 0 : i32
        %dma_start3A_20 = tpu.memref_slice %arg3[%dma_start3A_18, %dma_start3A_19] : memref<10240x128xf32, #tpu.memory_space<hbm>> -> memref<10240x128xf32, #tpu.memory_space<hbm>>
        tpu.enqueue_indirect_dma source(%dma_start3A_20 : memref<10240x128xf32, #tpu.memory_space<hbm>>) target(%arg7 : memref<125x128xf32, #tpu.memory_space<vmem>>) offsets(%dma_start3A_17 : memref<125xi32, #tpu.memory_space<vmem>>) semaphore(%run_scoped3A_15 : memref<!tpu.dma_semaphore, #tpu.memory_space<semaphore_mem>>)
        %dma_wait3A = arith.constant 0 : i32
        %dma_wait3A_21 = tpu.memref_slice %arg6[%run_scoped3A, %scan3A_13, %dma_wait3A] : memref<2x80x125xi32, #tpu.memory_space<vmem>> -> memref<1x1x125xi32, #tpu.memory_space<vmem>>
        %dma_wait3A_22 = tpu.memref_squeeze %dma_wait3A_21 : memref<1x1x125xi32, #tpu.memory_space<vmem>> -> memref<125xi32, #tpu.memory_space<vmem>>
        %dma_wait3A_23 = arith.constant 0 : i32
        %dma_wait3A_24 = arith.constant 0 : i32
        %dma_wait3A_25 = tpu.memref_slice %arg3[%dma_wait3A_23, %dma_wait3A_24] : memref<10240x128xf32, #tpu.memory_space<hbm>> -> memref<10240x128xf32, #tpu.memory_space<hbm>>
        tpu.wait_indirect_dma semaphore(%run_scoped3A_15 : memref<!tpu.dma_semaphore, #tpu.memory_space<semaphore_mem>>) src(%dma_wait3A_25 : memref<10240x128xf32, #tpu.memory_space<hbm>>) dst(%arg7 : memref<125x128xf32, #tpu.memory_space<vmem>>)
        tpu.yield
      }) : () -> ()
      %run_scoped3A_14 = arith.constant 1 : i32
      "tpu.region"() ({
        %run_scoped3A_15 = tpu.sem_alloc : memref<!tpu.dma_semaphore, #tpu.memory_space<semaphore_mem>>
        %dma_start3A = arith.constant 0 : i32
        %dma_start3A_16 = tpu.memref_slice %arg6[%run_scoped3A_14, %scan3A_13, %dma_start3A] : memref<2x80x125xi32, #tpu.memory_space<vmem>> -> memref<1x1x125xi32, #tpu.memory_space<vmem>>
        %dma_start3A_17 = tpu.memref_squeeze %dma_start3A_16 : memref<1x1x125xi32, #tpu.memory_space<vmem>> -> memref<125xi32, #tpu.memory_space<vmem>>
        %dma_start3A_18 = arith.constant 0 : i32
        %dma_start3A_19 = arith.constant 0 : i32
        %dma_start3A_20 = tpu.memref_slice %arg8[%dma_start3A_18, %dma_start3A_19] : memref<10240x128xf32, #tpu.memory_space<vmem_shared>> -> memref<10240x128xf32, #tpu.memory_space<vmem_shared>>
        tpu.enqueue_indirect_dma source(%arg7 : memref<125x128xf32, #tpu.memory_space<vmem>>) target(%dma_start3A_20 : memref<10240x128xf32, #tpu.memory_space<vmem_shared>>) offsets(%dma_start3A_17 : memref<125xi32, #tpu.memory_space<vmem>>) semaphore(%run_scoped3A_15 : memref<!tpu.dma_semaphore, #tpu.memory_space<semaphore_mem>>) {add = true}
        %dma_wait3A = arith.constant 0 : i32
        %dma_wait3A_21 = tpu.memref_slice %arg6[%run_scoped3A_14, %scan3A_13, %dma_wait3A] : memref<2x80x125xi32, #tpu.memory_space<vmem>> -> memref<1x1x125xi32, #tpu.memory_space<vmem>>
        %dma_wait3A_22 = tpu.memref_squeeze %dma_wait3A_21 : memref<1x1x125xi32, #tpu.memory_space<vmem>> -> memref<125xi32, #tpu.memory_space<vmem>>
        %dma_wait3A_23 = arith.constant 0 : i32
        %dma_wait3A_24 = arith.constant 0 : i32
        %dma_wait3A_25 = tpu.memref_slice %arg8[%dma_wait3A_23, %dma_wait3A_24] : memref<10240x128xf32, #tpu.memory_space<vmem_shared>> -> memref<10240x128xf32, #tpu.memory_space<vmem_shared>>
        tpu.wait_indirect_dma semaphore(%run_scoped3A_15 : memref<!tpu.dma_semaphore, #tpu.memory_space<semaphore_mem>>) src(%arg7 : memref<125x128xf32, #tpu.memory_space<vmem>>) dst(%dma_wait3A_25 : memref<10240x128xf32, #tpu.memory_space<vmem_shared>>)
        tpu.yield
      }) : () -> ()
    }
    %scan3A_7 = arith.constant 80 : i32
    %barrier3A_8 = arith.constant 0 : index
    tpu.barrier barrier_id(%barrier3A_8)
    %mul3A_9 = arith.constant 640 : i32
    %mul3A_10 = arith.muli %arg1, %mul3A_9 : i32
    %mul3A_11 = arith.constant 640 : i32
    %mul3A_12 = arith.muli %arg1, %mul3A_11 : i32
    "tpu.region"() ({
      %run_scoped3A = tpu.sem_alloc : memref<!tpu.dma_semaphore, #tpu.memory_space<semaphore_mem>>
      %dma_start3A = arith.constant 0 : i32
      %dma_start3A_13 = arith.constant 0 : i32
      %dma_start3A_14 = tpu.memref_slice %arg5[%arg0, %dma_start3A, %dma_start3A_13] : memref<2x10240x128xf32, #tpu.memory_space<hbm>> -> memref<1x10240x128xf32, #tpu.memory_space<hbm>>
      %dma_start3A_15 = tpu.memref_squeeze %dma_start3A_14 : memref<1x10240x128xf32, #tpu.memory_space<hbm>> -> memref<10240x128xf32, #tpu.memory_space<hbm>>
      %dma_start3A_16 = arith.constant 0 : i32
      %dma_start3A_17 = tpu.memref_slice %dma_start3A_15[%mul3A_12, %dma_start3A_16] : memref<10240x128xf32, #tpu.memory_space<hbm>> -> memref<640x128xf32, #tpu.memory_space<hbm>>
      %dma_start3A_18 = arith.constant 0 : i32
      %dma_start3A_19 = tpu.memref_slice %arg8[%mul3A_10, %dma_start3A_18] : memref<10240x128xf32, #tpu.memory_space<vmem_shared>> -> memref<640x128xf32, #tpu.memory_space<vmem_shared>>
      tpu.enqueue_dma source(%dma_start3A_19 : memref<640x128xf32, #tpu.memory_space<vmem_shared>>) target(%dma_start3A_17 : memref<640x128xf32, #tpu.memory_space<hbm>>) target_semaphore(%run_scoped3A : memref<!tpu.dma_semaphore, #tpu.memory_space<semaphore_mem>>)
      %dma_wait3A = arith.constant 0 : i32
      %dma_wait3A_20 = arith.constant 0 : i32
      %dma_wait3A_21 = tpu.memref_slice %arg5[%arg0, %dma_wait3A, %dma_wait3A_20] : memref<2x10240x128xf32, #tpu.memory_space<hbm>> -> memref<1x10240x128xf32, #tpu.memory_space<hbm>>
      %dma_wait3A_22 = tpu.memref_squeeze %dma_wait3A_21 : memref<1x10240x128xf32, #tpu.memory_space<hbm>> -> memref<10240x128xf32, #tpu.memory_space<hbm>>
      %dma_wait3A_23 = arith.constant 0 : i32
      %dma_wait3A_24 = tpu.memref_slice %dma_wait3A_22[%mul3A_12, %dma_wait3A_23] : memref<10240x128xf32, #tpu.memory_space<hbm>> -> memref<640x128xf32, #tpu.memory_space<hbm>>
      %dma_wait3A_25 = arith.constant 0 : i32
      %dma_wait3A_26 = tpu.memref_slice %arg8[%mul3A_10, %dma_wait3A_25] : memref<10240x128xf32, #tpu.memory_space<vmem_shared>> -> memref<640x128xf32, #tpu.memory_space<vmem_shared>>
      tpu.wait_dma2 semaphore(%run_scoped3A : memref<!tpu.dma_semaphore, #tpu.memory_space<semaphore_mem>>) src(%dma_wait3A_26 : memref<640x128xf32, #tpu.memory_space<vmem_shared>>) dst(%dma_wait3A_24 : memref<640x128xf32, #tpu.memory_space<hbm>>)
      tpu.yield
    }) : () -> ()
    return
  }
}

#map = affine_map<(d0, d1) -> (0, 0, 0, 0)>
#map1 = affine_map<(d0, d1) -> (0, 0)>
#map2 = affine_map<(d0, d1) -> (0, 0, 0)>
module attributes {stable_mosaic.version = 14 : i64} {
  func.func @_prop_kernel(%arg0: i32, %arg1: i32, %arg2: memref<32x2x80x125xi32, #tpu.memory_space<hbm>>, %arg3: memref<10240x128xf32, #tpu.memory_space<hbm>>, %arg4: memref<640x128xf32, #tpu.memory_space<hbm>>, %arg5: memref<2x10240x128xf32, #tpu.memory_space<hbm>>, %arg6: memref<2x80x125xi32, #tpu.memory_space<vmem>>, %arg7: memref<125x128xf32, #tpu.memory_space<vmem>>, %arg8: memref<10240x128xf32, #tpu.memory_space<vmem_shared>>) attributes {dimension_semantics = [#tpu.dimension_semantics<core_parallel>, #tpu.dimension_semantics<subcore_parallel>], iteration_bounds = array<i64: 2, 16>, scalar_prefetch = 0 : i64, scratch_operands = 3 : i64, tpu.core_type = #tpu.core_type<sc_vector_subcore>, window_params = [{transform_indices = #map}, {transform_indices = #map1}, {transform_indices = #map1}, {transform_indices = #map2}]} {
    %mul3A = arith.constant 16 : i32
    %mul3A_0 = arith.muli %arg0, %mul3A : i32
    %add3A = arith.addi %mul3A_0, %arg1 : i32
    %mul3A_1 = arith.constant 640 : i32
    %mul3A_2 = arith.muli %arg1, %mul3A_1 : i32
    "tpu.region"() ({
      %run_scoped3A = tpu.sem_alloc : memref<!tpu.dma_semaphore, #tpu.memory_space<semaphore_mem>>
      %dma_start3A = arith.constant 0 : i32
      %dma_start3A_13 = tpu.memref_slice %arg8[%mul3A_2, %dma_start3A] : memref<10240x128xf32, #tpu.memory_space<vmem_shared>> -> memref<640x128xf32, #tpu.memory_space<vmem_shared>>
      tpu.enqueue_dma source(%arg4 : memref<640x128xf32, #tpu.memory_space<hbm>>) target(%dma_start3A_13 : memref<640x128xf32, #tpu.memory_space<vmem_shared>>) target_semaphore(%run_scoped3A : memref<!tpu.dma_semaphore, #tpu.memory_space<semaphore_mem>>)
      %dma_wait3A = arith.constant 0 : i32
      %dma_wait3A_14 = tpu.memref_slice %arg8[%mul3A_2, %dma_wait3A] : memref<10240x128xf32, #tpu.memory_space<vmem_shared>> -> memref<640x128xf32, #tpu.memory_space<vmem_shared>>
      tpu.wait_dma2 semaphore(%run_scoped3A : memref<!tpu.dma_semaphore, #tpu.memory_space<semaphore_mem>>) src(%arg4 : memref<640x128xf32, #tpu.memory_space<hbm>>) dst(%dma_wait3A_14 : memref<640x128xf32, #tpu.memory_space<vmem_shared>>)
      tpu.yield
    }) : () -> ()
    "tpu.region"() ({
      %run_scoped3A = tpu.sem_alloc : memref<!tpu.dma_semaphore, #tpu.memory_space<semaphore_mem>>
      %dma_start3A = arith.constant 0 : i32
      %dma_start3A_13 = arith.constant 0 : i32
      %dma_start3A_14 = arith.constant 0 : i32
      %dma_start3A_15 = tpu.memref_slice %arg2[%add3A, %dma_start3A, %dma_start3A_13, %dma_start3A_14] : memref<32x2x80x125xi32, #tpu.memory_space<hbm>> -> memref<1x2x80x125xi32, #tpu.memory_space<hbm>>
      %dma_start3A_16 = tpu.memref_squeeze %dma_start3A_15 : memref<1x2x80x125xi32, #tpu.memory_space<hbm>> -> memref<2x80x125xi32, #tpu.memory_space<hbm>>
      %dma_start3A_17 = arith.constant 0 : i32
      %dma_start3A_18 = arith.constant 0 : i32
      %dma_start3A_19 = arith.constant 0 : i32
      %dma_start3A_20 = tpu.memref_slice %arg2[%add3A, %dma_start3A_17, %dma_start3A_18, %dma_start3A_19] : memref<32x2x80x125xi32, #tpu.memory_space<hbm>> -> memref<1x2x80x125xi32, #tpu.memory_space<hbm>>
      %dma_start3A_21 = tpu.memref_squeeze %dma_start3A_20 : memref<1x2x80x125xi32, #tpu.memory_space<hbm>> -> memref<2x80x125xi32, #tpu.memory_space<hbm>>
      tpu.enqueue_dma source(%dma_start3A_21 : memref<2x80x125xi32, #tpu.memory_space<hbm>>) target(%arg6 : memref<2x80x125xi32, #tpu.memory_space<vmem>>) target_semaphore(%run_scoped3A : memref<!tpu.dma_semaphore, #tpu.memory_space<semaphore_mem>>)
      %dma_wait3A = arith.constant 0 : i32
      %dma_wait3A_22 = arith.constant 0 : i32
      %dma_wait3A_23 = arith.constant 0 : i32
      %dma_wait3A_24 = tpu.memref_slice %arg2[%add3A, %dma_wait3A, %dma_wait3A_22, %dma_wait3A_23] : memref<32x2x80x125xi32, #tpu.memory_space<hbm>> -> memref<1x2x80x125xi32, #tpu.memory_space<hbm>>
      %dma_wait3A_25 = tpu.memref_squeeze %dma_wait3A_24 : memref<1x2x80x125xi32, #tpu.memory_space<hbm>> -> memref<2x80x125xi32, #tpu.memory_space<hbm>>
      %dma_wait3A_26 = arith.constant 0 : i32
      %dma_wait3A_27 = arith.constant 0 : i32
      %dma_wait3A_28 = arith.constant 0 : i32
      %dma_wait3A_29 = tpu.memref_slice %arg2[%add3A, %dma_wait3A_26, %dma_wait3A_27, %dma_wait3A_28] : memref<32x2x80x125xi32, #tpu.memory_space<hbm>> -> memref<1x2x80x125xi32, #tpu.memory_space<hbm>>
      %dma_wait3A_30 = tpu.memref_squeeze %dma_wait3A_29 : memref<1x2x80x125xi32, #tpu.memory_space<hbm>> -> memref<2x80x125xi32, #tpu.memory_space<hbm>>
      tpu.wait_dma2 semaphore(%run_scoped3A : memref<!tpu.dma_semaphore, #tpu.memory_space<semaphore_mem>>) src(%dma_wait3A_30 : memref<2x80x125xi32, #tpu.memory_space<hbm>>) dst(%arg6 : memref<2x80x125xi32, #tpu.memory_space<vmem>>)
      tpu.yield
    }) : () -> ()
    %barrier3A = arith.constant 0 : index
    tpu.barrier barrier_id(%barrier3A)
    %scan3A = arith.constant 0 : i32
    %scan3A_3 = arith.constant 0 : i32
    %scan3A_4 = arith.constant 80 : i32
    %scan3A_5 = arith.addi %scan3A_3, %scan3A_4 : i32
    %scan3A_6 = arith.constant 1 : i32
    scf.for %scan3A_13 = %scan3A_3 to %scan3A_5 step %scan3A_6  : i32 {
      %run_scoped3A = arith.constant 0 : i32
      "tpu.region"() ({
        %run_scoped3A_15 = tpu.sem_alloc : memref<!tpu.dma_semaphore, #tpu.memory_space<semaphore_mem>>
        %dma_start3A = arith.constant 0 : i32
        %dma_start3A_16 = tpu.memref_slice %arg6[%run_scoped3A, %scan3A_13, %dma_start3A] : memref<2x80x125xi32, #tpu.memory_space<vmem>> -> memref<1x1x125xi32, #tpu.memory_space<vmem>>
        %dma_start3A_17 = tpu.memref_squeeze %dma_start3A_16 : memref<1x1x125xi32, #tpu.memory_space<vmem>> -> memref<125xi32, #tpu.memory_space<vmem>>
        %dma_start3A_18 = arith.constant 0 : i32
        %dma_start3A_19 = arith.constant 0 : i32
        %dma_start3A_20 = tpu.memref_slice %arg3[%dma_start3A_18, %dma_start3A_19] : memref<10240x128xf32, #tpu.memory_space<hbm>> -> memref<10240x128xf32, #tpu.memory_space<hbm>>
        tpu.enqueue_indirect_dma source(%dma_start3A_20 : memref<10240x128xf32, #tpu.memory_space<hbm>>) target(%arg7 : memref<125x128xf32, #tpu.memory_space<vmem>>) offsets(%dma_start3A_17 : memref<125xi32, #tpu.memory_space<vmem>>) semaphore(%run_scoped3A_15 : memref<!tpu.dma_semaphore, #tpu.memory_space<semaphore_mem>>)
        %dma_wait3A = arith.constant 0 : i32
        %dma_wait3A_21 = tpu.memref_slice %arg6[%run_scoped3A, %scan3A_13, %dma_wait3A] : memref<2x80x125xi32, #tpu.memory_space<vmem>> -> memref<1x1x125xi32, #tpu.memory_space<vmem>>
        %dma_wait3A_22 = tpu.memref_squeeze %dma_wait3A_21 : memref<1x1x125xi32, #tpu.memory_space<vmem>> -> memref<125xi32, #tpu.memory_space<vmem>>
        %dma_wait3A_23 = arith.constant 0 : i32
        %dma_wait3A_24 = arith.constant 0 : i32
        %dma_wait3A_25 = tpu.memref_slice %arg3[%dma_wait3A_23, %dma_wait3A_24] : memref<10240x128xf32, #tpu.memory_space<hbm>> -> memref<10240x128xf32, #tpu.memory_space<hbm>>
        tpu.wait_indirect_dma semaphore(%run_scoped3A_15 : memref<!tpu.dma_semaphore, #tpu.memory_space<semaphore_mem>>) src(%dma_wait3A_25 : memref<10240x128xf32, #tpu.memory_space<hbm>>) dst(%arg7 : memref<125x128xf32, #tpu.memory_space<vmem>>)
        tpu.yield
      }) : () -> ()
      %run_scoped3A_14 = arith.constant 1 : i32
      "tpu.region"() ({
        %run_scoped3A_15 = tpu.sem_alloc : memref<!tpu.dma_semaphore, #tpu.memory_space<semaphore_mem>>
        %dma_start3A = arith.constant 0 : i32
        %dma_start3A_16 = tpu.memref_slice %arg6[%run_scoped3A_14, %scan3A_13, %dma_start3A] : memref<2x80x125xi32, #tpu.memory_space<vmem>> -> memref<1x1x125xi32, #tpu.memory_space<vmem>>
        %dma_start3A_17 = tpu.memref_squeeze %dma_start3A_16 : memref<1x1x125xi32, #tpu.memory_space<vmem>> -> memref<125xi32, #tpu.memory_space<vmem>>
        %dma_start3A_18 = arith.constant 0 : i32
        %dma_start3A_19 = arith.constant 0 : i32
        %dma_start3A_20 = tpu.memref_slice %arg8[%dma_start3A_18, %dma_start3A_19] : memref<10240x128xf32, #tpu.memory_space<vmem_shared>> -> memref<10240x128xf32, #tpu.memory_space<vmem_shared>>
        tpu.enqueue_indirect_dma source(%arg7 : memref<125x128xf32, #tpu.memory_space<vmem>>) target(%dma_start3A_20 : memref<10240x128xf32, #tpu.memory_space<vmem_shared>>) offsets(%dma_start3A_17 : memref<125xi32, #tpu.memory_space<vmem>>) semaphore(%run_scoped3A_15 : memref<!tpu.dma_semaphore, #tpu.memory_space<semaphore_mem>>) {add = true}
        %dma_wait3A = arith.constant 0 : i32
        %dma_wait3A_21 = tpu.memref_slice %arg6[%run_scoped3A_14, %scan3A_13, %dma_wait3A] : memref<2x80x125xi32, #tpu.memory_space<vmem>> -> memref<1x1x125xi32, #tpu.memory_space<vmem>>
        %dma_wait3A_22 = tpu.memref_squeeze %dma_wait3A_21 : memref<1x1x125xi32, #tpu.memory_space<vmem>> -> memref<125xi32, #tpu.memory_space<vmem>>
        %dma_wait3A_23 = arith.constant 0 : i32
        %dma_wait3A_24 = arith.constant 0 : i32
        %dma_wait3A_25 = tpu.memref_slice %arg8[%dma_wait3A_23, %dma_wait3A_24] : memref<10240x128xf32, #tpu.memory_space<vmem_shared>> -> memref<10240x128xf32, #tpu.memory_space<vmem_shared>>
        tpu.wait_indirect_dma semaphore(%run_scoped3A_15 : memref<!tpu.dma_semaphore, #tpu.memory_space<semaphore_mem>>) src(%arg7 : memref<125x128xf32, #tpu.memory_space<vmem>>) dst(%dma_wait3A_25 : memref<10240x128xf32, #tpu.memory_space<vmem_shared>>)
        tpu.yield
      }) : () -> ()
    }
    %scan3A_7 = arith.constant 80 : i32
    %barrier3A_8 = arith.constant 0 : index
    tpu.barrier barrier_id(%barrier3A_8)
    %mul3A_9 = arith.constant 640 : i32
    %mul3A_10 = arith.muli %arg1, %mul3A_9 : i32
    %mul3A_11 = arith.constant 640 : i32
    %mul3A_12 = arith.muli %arg1, %mul3A_11 : i32
    "tpu.region"() ({
      %run_scoped3A = tpu.sem_alloc : memref<!tpu.dma_semaphore, #tpu.memory_space<semaphore_mem>>
      %dma_start3A = arith.constant 0 : i32
      %dma_start3A_13 = arith.constant 0 : i32
      %dma_start3A_14 = tpu.memref_slice %arg5[%arg0, %dma_start3A, %dma_start3A_13] : memref<2x10240x128xf32, #tpu.memory_space<hbm>> -> memref<1x10240x128xf32, #tpu.memory_space<hbm>>
      %dma_start3A_15 = tpu.memref_squeeze %dma_start3A_14 : memref<1x10240x128xf32, #tpu.memory_space<hbm>> -> memref<10240x128xf32, #tpu.memory_space<hbm>>
      %dma_start3A_16 = arith.constant 0 : i32
      %dma_start3A_17 = tpu.memref_slice %dma_start3A_15[%mul3A_12, %dma_start3A_16] : memref<10240x128xf32, #tpu.memory_space<hbm>> -> memref<640x128xf32, #tpu.memory_space<hbm>>
      %dma_start3A_18 = arith.constant 0 : i32
      %dma_start3A_19 = tpu.memref_slice %arg8[%mul3A_10, %dma_start3A_18] : memref<10240x128xf32, #tpu.memory_space<vmem_shared>> -> memref<640x128xf32, #tpu.memory_space<vmem_shared>>
      tpu.enqueue_dma source(%dma_start3A_19 : memref<640x128xf32, #tpu.memory_space<vmem_shared>>) target(%dma_start3A_17 : memref<640x128xf32, #tpu.memory_space<hbm>>) target_semaphore(%run_scoped3A : memref<!tpu.dma_semaphore, #tpu.memory_space<semaphore_mem>>)
      %dma_wait3A = arith.constant 0 : i32
      %dma_wait3A_20 = arith.constant 0 : i32
      %dma_wait3A_21 = tpu.memref_slice %arg5[%arg0, %dma_wait3A, %dma_wait3A_20] : memref<2x10240x128xf32, #tpu.memory_space<hbm>> -> memref<1x10240x128xf32, #tpu.memory_space<hbm>>
      %dma_wait3A_22 = tpu.memref_squeeze %dma_wait3A_21 : memref<1x10240x128xf32, #tpu.memory_space<hbm>> -> memref<10240x128xf32, #tpu.memory_space<hbm>>
      %dma_wait3A_23 = arith.constant 0 : i32
      %dma_wait3A_24 = tpu.memref_slice %dma_wait3A_22[%mul3A_12, %dma_wait3A_23] : memref<10240x128xf32, #tpu.memory_space<hbm>> -> memref<640x128xf32, #tpu.memory_space<hbm>>
      %dma_wait3A_25 = arith.constant 0 : i32
      %dma_wait3A_26 = tpu.memref_slice %arg8[%mul3A_10, %dma_wait3A_25] : memref<10240x128xf32, #tpu.memory_space<vmem_shared>> -> memref<640x128xf32, #tpu.memory_space<vmem_shared>>
      tpu.wait_dma2 semaphore(%run_scoped3A : memref<!tpu.dma_semaphore, #tpu.memory_space<semaphore_mem>>) src(%dma_wait3A_26 : memref<640x128xf32, #tpu.memory_space<vmem_shared>>) dst(%dma_wait3A_24 : memref<640x128xf32, #tpu.memory_space<hbm>>)
      tpu.yield
    }) : () -> ()
    return
  }
}

module attributes {stable_mosaic.version = 14 : i64} {
  func.func @_dinv_body(%arg0: memref<2x80x128xf32, #tpu.memory_space<vmem>>, %arg1: memref<80x128xf32, #tpu.memory_space<vmem>>) attributes {dimension_semantics = [], scalar_prefetch = 0 : i64, scratch_operands = 0 : i64, tpu.core_type = #tpu.core_type<tc>} {
    %get3A = arith.constant 0 : index
    %get3A_0 = arith.constant 0 : index
    %get3A_1 = arith.constant 0 : index
    %get3A_2 = vector.load %arg0[%get3A, %get3A_0, %get3A_1] : memref<2x80x128xf32, #tpu.memory_space<vmem>>, vector<1x80x128xf32>
    %get3A_3 = vector.shape_cast %get3A_2 : vector<1x80x128xf32> to vector<80x128xf32>
    %get3A_4 = arith.constant 1 : index
    %get3A_5 = arith.constant 0 : index
    %get3A_6 = arith.constant 0 : index
    %get3A_7 = vector.load %arg0[%get3A_4, %get3A_5, %get3A_6] : memref<2x80x128xf32, #tpu.memory_space<vmem>>, vector<1x80x128xf32>
    %get3A_8 = vector.shape_cast %get3A_7 : vector<1x80x128xf32> to vector<80x128xf32>
    %add3A = arith.addf %get3A_3, %get3A_8 : vector<80x128xf32>
    %gt3A = arith.constant 0.000000e+00 : f32
    %gt3A_9 = vector.broadcast %gt3A : f32 to vector<80x128xf32>
    %gt3A_10 = arith.cmpf ogt, %add3A, %gt3A_9 : vector<80x128xf32>
    %jit3A = arith.constant 1.000000e+00 : f32
    %broadcast_in_dim3A = vector.broadcast %jit3A : f32 to vector<80x128xf32>
    %select_n3A = arith.select %gt3A_10, %add3A, %broadcast_in_dim3A : vector<80x128xi1>, vector<80x128xf32>
    %gt3A_11 = arith.constant 0.000000e+00 : f32
    %gt3A_12 = vector.broadcast %gt3A_11 : f32 to vector<80x128xf32>
    %gt3A_13 = arith.cmpf ogt, %add3A, %gt3A_12 : vector<80x128xf32>
    %rsqrt3A = math.rsqrt %select_n3A : vector<80x128xf32>
    %jit3A_14 = arith.constant 0.000000e+00 : f32
    %broadcast_in_dim3A_15 = vector.broadcast %jit3A_14 : f32 to vector<80x128xf32>
    %select_n3A_16 = arith.select %gt3A_13, %rsqrt3A, %broadcast_in_dim3A_15 : vector<80x128xi1>, vector<80x128xf32>
    %swap3A = arith.constant 0 : index
    %swap3A_17 = arith.constant 0 : index
    %swap3A_18 = vector.load %arg1[%swap3A, %swap3A_17] : memref<80x128xf32, #tpu.memory_space<vmem>>, vector<80x128xf32>
    tpu.vector_store %arg1[%swap3A, %swap3A_17], %select_n3A_16 {strides = array<i32>} : memref<80x128xf32, #tpu.memory_space<vmem>>, vector<80x128xf32>,
    return
  }
}

module attributes {stable_mosaic.version = 14 : i64} {
  func.func @_prep_body(%arg0: i32, %arg1: memref<1024x128xf32, #tpu.memory_space<vmem>>, %arg2: memref<1024x128xf32, #tpu.memory_space<vmem>>, %arg3: memref<1024x128xf32, #tpu.memory_space<vmem>>) attributes {dimension_semantics = [#tpu.dimension_semantics<arbitrary>], iteration_bounds = array<i64: 10>, scalar_prefetch = 0 : i64, scratch_operands = 0 : i64, tpu.core_type = #tpu.core_type<tc>, window_params = [{transform_indices = @transform_0, window_bounds = array<i64: 1024, 128>}, {transform_indices = @transform_1, window_bounds = array<i64: 1024, 128>}, {transform_indices = @transform_2, window_bounds = array<i64: 1024, 128>}]} {
    %get3A = arith.constant 0 : index
    %get3A_0 = arith.constant 0 : index
    %get3A_1 = vector.load %arg1[%get3A, %get3A_0] : memref<1024x128xf32, #tpu.memory_space<vmem>>, vector<1024x128xf32>
    %get3A_2 = arith.constant 0 : index
    %get3A_3 = arith.constant 0 : index
    %get3A_4 = vector.load %arg2[%get3A_2, %get3A_3] : memref<1024x128xf32, #tpu.memory_space<vmem>>, vector<1024x128xf32>
    %mul3A = arith.mulf %get3A_1, %get3A_4 : vector<1024x128xf32>
    %swap3A = arith.constant 0 : index
    %swap3A_5 = arith.constant 0 : index
    %swap3A_6 = vector.load %arg3[%swap3A, %swap3A_5] : memref<1024x128xf32, #tpu.memory_space<vmem>>, vector<1024x128xf32>
    tpu.vector_store %arg3[%swap3A, %swap3A_5], %mul3A {strides = array<i32>} : memref<1024x128xf32, #tpu.memory_space<vmem>>, vector<1024x128xf32>,
    return
  }
  func.func @transform_0(%arg0: i32) -> (i32, i32) {
    %c0_i32 = arith.constant 0 : i32
    %c0_i32_0 = arith.constant 0 : i32
    return %arg0, %c0_i32 : i32, i32
  }
  func.func @transform_1(%arg0: i32) -> (i32, i32) {
    %c0_i32 = arith.constant 0 : i32
    %c0_i32_0 = arith.constant 0 : i32
    return %arg0, %c0_i32 : i32, i32
  }
  func.func @transform_2(%arg0: i32) -> (i32, i32) {
    %c0_i32 = arith.constant 0 : i32
    %c0_i32_0 = arith.constant 0 : i32
    return %arg0, %c0_i32 : i32, i32
  }
}

module attributes {stable_mosaic.version = 14 : i64} {
  func.func @_comb_body(%arg0: i32, %arg1: memref<2x1024x128xf32, #tpu.memory_space<vmem>>, %arg2: memref<1024x128xf32, #tpu.memory_space<vmem>>, %arg3: memref<1024x128xf32, #tpu.memory_space<vmem>>) attributes {dimension_semantics = [#tpu.dimension_semantics<arbitrary>], iteration_bounds = array<i64: 10>, scalar_prefetch = 0 : i64, scratch_operands = 0 : i64, tpu.core_type = #tpu.core_type<tc>, window_params = [{transform_indices = @transform_0, window_bounds = array<i64: 2, 1024, 128>}, {transform_indices = @transform_1, window_bounds = array<i64: 1024, 128>}, {transform_indices = @transform_2, window_bounds = array<i64: 1024, 128>}]} {
    %get3A = arith.constant 0 : index
    %get3A_0 = arith.constant 0 : index
    %get3A_1 = arith.constant 0 : index
    %get3A_2 = vector.load %arg1[%get3A, %get3A_0, %get3A_1] : memref<2x1024x128xf32, #tpu.memory_space<vmem>>, vector<1x1024x128xf32>
    %get3A_3 = vector.shape_cast %get3A_2 : vector<1x1024x128xf32> to vector<1024x128xf32>
    %get3A_4 = arith.constant 1 : index
    %get3A_5 = arith.constant 0 : index
    %get3A_6 = arith.constant 0 : index
    %get3A_7 = vector.load %arg1[%get3A_4, %get3A_5, %get3A_6] : memref<2x1024x128xf32, #tpu.memory_space<vmem>>, vector<1x1024x128xf32>
    %get3A_8 = vector.shape_cast %get3A_7 : vector<1x1024x128xf32> to vector<1024x128xf32>
    %add3A = arith.addf %get3A_3, %get3A_8 : vector<1024x128xf32>
    %get3A_9 = arith.constant 0 : index
    %get3A_10 = arith.constant 0 : index
    %get3A_11 = vector.load %arg2[%get3A_9, %get3A_10] : memref<1024x128xf32, #tpu.memory_space<vmem>>, vector<1024x128xf32>
    %mul3A = arith.mulf %get3A_11, %get3A_11 : vector<1024x128xf32>
    %mul3A_12 = arith.mulf %mul3A, %add3A : vector<1024x128xf32>
    %swap3A = arith.constant 0 : index
    %swap3A_13 = arith.constant 0 : index
    %swap3A_14 = vector.load %arg3[%swap3A, %swap3A_13] : memref<1024x128xf32, #tpu.memory_space<vmem>>, vector<1024x128xf32>
    tpu.vector_store %arg3[%swap3A, %swap3A_13], %mul3A_12 {strides = array<i32>} : memref<1024x128xf32, #tpu.memory_space<vmem>>, vector<1024x128xf32>,
    return
  }
  func.func @transform_0(%arg0: i32) -> (i32, i32, i32) {
    %c0_i32 = arith.constant 0 : i32
    %c0_i32_0 = arith.constant 0 : i32
    %c0_i32_1 = arith.constant 0 : i32
    return %c0_i32, %arg0, %c0_i32_0 : i32, i32, i32
  }
  func.func @transform_1(%arg0: i32) -> (i32, i32) {
    %c0_i32 = arith.constant 0 : i32
    %c0_i32_0 = arith.constant 0 : i32
    return %arg0, %c0_i32 : i32, i32
  }
  func.func @transform_2(%arg0: i32) -> (i32, i32) {
    %c0_i32 = arith.constant 0 : i32
    %c0_i32_0 = arith.constant 0 : i32
    return %arg0, %c0_i32 : i32, i32
  }
}

module attributes {stable_mosaic.version = 14 : i64} {
  func.func @_final_body(%arg0: i32, %arg1: memref<2x1024x128xf32, #tpu.memory_space<vmem>>, %arg2: memref<2x1024x128xf32, #tpu.memory_space<vmem>>, %arg3: memref<2x1024x128xf32, #tpu.memory_space<vmem>>, %arg4: memref<1024x128xf32, #tpu.memory_space<vmem>>, %arg5: memref<1024x128xf32, #tpu.memory_space<vmem>>, %arg6: memref<1024x128xf32, #tpu.memory_space<vmem>>) attributes {dimension_semantics = [#tpu.dimension_semantics<arbitrary>], iteration_bounds = array<i64: 10>, scalar_prefetch = 0 : i64, scratch_operands = 0 : i64, tpu.core_type = #tpu.core_type<tc>, window_params = [{transform_indices = @transform_0, window_bounds = array<i64: 2, 1024, 128>}, {transform_indices = @transform_1, window_bounds = array<i64: 2, 1024, 128>}, {transform_indices = @transform_2, window_bounds = array<i64: 2, 1024, 128>}, {transform_indices = @transform_3, window_bounds = array<i64: 1024, 128>}, {transform_indices = @transform_4, window_bounds = array<i64: 1024, 128>}, {transform_indices = @transform_5, window_bounds = array<i64: 1024, 128>}]} {
    %get3A = arith.constant 0 : index
    %get3A_0 = arith.constant 0 : index
    %get3A_1 = arith.constant 0 : index
    %get3A_2 = vector.load %arg1[%get3A, %get3A_0, %get3A_1] : memref<2x1024x128xf32, #tpu.memory_space<vmem>>, vector<1x1024x128xf32>
    %get3A_3 = vector.shape_cast %get3A_2 : vector<1x1024x128xf32> to vector<1024x128xf32>
    %get3A_4 = arith.constant 1 : index
    %get3A_5 = arith.constant 0 : index
    %get3A_6 = arith.constant 0 : index
    %get3A_7 = vector.load %arg1[%get3A_4, %get3A_5, %get3A_6] : memref<2x1024x128xf32, #tpu.memory_space<vmem>>, vector<1x1024x128xf32>
    %get3A_8 = vector.shape_cast %get3A_7 : vector<1x1024x128xf32> to vector<1024x128xf32>
    %add3A = arith.addf %get3A_3, %get3A_8 : vector<1024x128xf32>
    %get3A_9 = arith.constant 0 : index
    %get3A_10 = arith.constant 0 : index
    %get3A_11 = arith.constant 0 : index
    %get3A_12 = vector.load %arg2[%get3A_9, %get3A_10, %get3A_11] : memref<2x1024x128xf32, #tpu.memory_space<vmem>>, vector<1x1024x128xf32>
    %get3A_13 = vector.shape_cast %get3A_12 : vector<1x1024x128xf32> to vector<1024x128xf32>
    %add3A_14 = arith.addf %add3A, %get3A_13 : vector<1024x128xf32>
    %get3A_15 = arith.constant 1 : index
    %get3A_16 = arith.constant 0 : index
    %get3A_17 = arith.constant 0 : index
    %get3A_18 = vector.load %arg2[%get3A_15, %get3A_16, %get3A_17] : memref<2x1024x128xf32, #tpu.memory_space<vmem>>, vector<1x1024x128xf32>
    %get3A_19 = vector.shape_cast %get3A_18 : vector<1x1024x128xf32> to vector<1024x128xf32>
    %add3A_20 = arith.addf %add3A_14, %get3A_19 : vector<1024x128xf32>
    %get3A_21 = arith.constant 0 : index
    %get3A_22 = arith.constant 0 : index
    %get3A_23 = arith.constant 0 : index
    %get3A_24 = vector.load %arg3[%get3A_21, %get3A_22, %get3A_23] : memref<2x1024x128xf32, #tpu.memory_space<vmem>>, vector<1x1024x128xf32>
    %get3A_25 = vector.shape_cast %get3A_24 : vector<1x1024x128xf32> to vector<1024x128xf32>
    %add3A_26 = arith.addf %add3A_20, %get3A_25 : vector<1024x128xf32>
    %get3A_27 = arith.constant 1 : index
    %get3A_28 = arith.constant 0 : index
    %get3A_29 = arith.constant 0 : index
    %get3A_30 = vector.load %arg3[%get3A_27, %get3A_28, %get3A_29] : memref<2x1024x128xf32, #tpu.memory_space<vmem>>, vector<1x1024x128xf32>
    %get3A_31 = vector.shape_cast %get3A_30 : vector<1x1024x128xf32> to vector<1024x128xf32>
    %add3A_32 = arith.addf %add3A_26, %get3A_31 : vector<1024x128xf32>
    %get3A_33 = arith.constant 0 : index
    %get3A_34 = arith.constant 0 : index
    %get3A_35 = vector.load %arg5[%get3A_33, %get3A_34] : memref<1024x128xf32, #tpu.memory_space<vmem>>, vector<1024x128xf32>
    %get3A_36 = arith.constant 0 : index
    %get3A_37 = arith.constant 0 : index
    %get3A_38 = vector.load %arg4[%get3A_36, %get3A_37] : memref<1024x128xf32, #tpu.memory_space<vmem>>, vector<1024x128xf32>
    %mul3A = arith.mulf %get3A_38, %add3A_32 : vector<1024x128xf32>
    %add3A_39 = arith.addf %get3A_35, %mul3A : vector<1024x128xf32>
    %mul3A_40 = arith.constant 2.500000e-01 : f32
    %mul3A_41 = vector.broadcast %mul3A_40 : f32 to vector<1024x128xf32>
    %mul3A_42 = arith.mulf %add3A_39, %mul3A_41 : vector<1024x128xf32>
    %swap3A = arith.constant 0 : index
    %swap3A_43 = arith.constant 0 : index
    %swap3A_44 = vector.load %arg6[%swap3A, %swap3A_43] : memref<1024x128xf32, #tpu.memory_space<vmem>>, vector<1024x128xf32>
    tpu.vector_store %arg6[%swap3A, %swap3A_43], %mul3A_42 {strides = array<i32>} : memref<1024x128xf32, #tpu.memory_space<vmem>>, vector<1024x128xf32>,
    return
  }
  func.func @transform_0(%arg0: i32) -> (i32, i32, i32) {
    %c0_i32 = arith.constant 0 : i32
    %c0_i32_0 = arith.constant 0 : i32
    %c0_i32_1 = arith.constant 0 : i32
    return %c0_i32, %arg0, %c0_i32_0 : i32, i32, i32
  }
  func.func @transform_1(%arg0: i32) -> (i32, i32, i32) {
    %c0_i32 = arith.constant 0 : i32
    %c0_i32_0 = arith.constant 0 : i32
    %c0_i32_1 = arith.constant 0 : i32
    return %c0_i32, %arg0, %c0_i32_0 : i32, i32, i32
  }
  func.func @transform_2(%arg0: i32) -> (i32, i32, i32) {
    %c0_i32 = arith.constant 0 : i32
    %c0_i32_0 = arith.constant 0 : i32
    %c0_i32_1 = arith.constant 0 : i32
    return %c0_i32, %arg0, %c0_i32_0 : i32, i32, i32
  }
  func.func @transform_3(%arg0: i32) -> (i32, i32) {
    %c0_i32 = arith.constant 0 : i32
    %c0_i32_0 = arith.constant 0 : i32
    return %arg0, %c0_i32 : i32, i32
  }
  func.func @transform_4(%arg0: i32) -> (i32, i32) {
    %c0_i32 = arith.constant 0 : i32
    %c0_i32_0 = arith.constant 0 : i32
    return %arg0, %c0_i32 : i32, i32
  }
  func.func @transform_5(%arg0: i32) -> (i32, i32) {
    %c0_i32 = arith.constant 0 : i32
    %c0_i32_0 = arith.constant 0 : i32
    return %arg0, %c0_i32 : i32, i32
  }
}

</mosaic_0001>

<sc_bundles>
// kernel: kernel.11.cloned.1.call-start
scs
__scs_entry_jumppad:
0x0: {  	(pc) =	sbr.rel $0x88, $3  }
0x1: {  	(tag) =	ssettag $0x0;
	lr =	simm.s32 $0x1  }
0x2: {  	[smem:$0x3F9F] =	sst lr;
	_ =	strace $0xD0000000  }
0x3: {  	_ = 	snop  }
0x4: {  	_ = 	snop  }
0x5: {  	_ = 	snop  }
0x6: {  	_ = 	snop  }
0x7: {  	_ = 	snop  }
__scs_overlays_trampoline_lowered:
0x8: {  	[smem:$0x3FAE] =	sst s0  }
0x9: {  	[smem:$0x3FAF] =	sst s1  }
0xa: {  	[smem:$0x3FB0] =	sst s2  }
0xb: {  	[smem:$0x3FB1] =	sst s3  }
0xc: {  	[smem:$0x3FB2] =	sst s4  }
0xd: {  	[smem:$0x3FB3] =	sst s5  }
0xe: {  	[smem:$0x3FB4] =	sst s6  }
0xf: {  	[smem:$0x3FB5] =	sst s7  }
0x10: {  	[smem:$0x3FB6] =	sst s8  }
0x11: {  	[smem:$0x3FB7] =	sst s9;
	s0 =	simm.s32 @!p0 $0x0  }
0x12: {  	s1 =	sld [smem:$0x3F9D];
	s0 =	simm.s32 @p0 $0x1  }
0x13: {  	[smem:$0x3FB8] =	sst s0;
	s0 =	simm.s32 @!p1 $0x0  }
0x14: {  	s2 =	sld [smem:$0x3F9C];
	s0 =	simm.s32 @p1 $0x1  }
0x15: {  	[smem:$0x3FB9] =	sst s0;
	s0 =	simm.s32 @!p2 $0x0  }
0x16: {  	s3 =	sld [smem:$0x3FDB];
	s0 =	simm.s32 @p2 $0x1  }
0x17: {  	s4 =	simm.s32 $0x1BF5;
	[smem:$0x3FBB] =	sst s0  }
0x18: {  	s0 =	sld [smem:$0x3F9E];
	_ =	swait.ge [sflag:s4], $0x0  }
0x19: {  	s7 =	sld [smem:$0x3F9F]  }
0x1a: {  	s8 =	sadd.s32 $0xFFFFE003, lr  }
0x1b: {  	s9 =	sadd.s32 $0xFFFFFEF7, lr;
	s5 =	simm.s32 $0xFFFFFFFF;
	p2 =	slt.u32 s8, $0xFFFFF086  }
0x1c: {  	p1 =	slt.u32 s9, $0xF7A;
	s5 =	simm.s32 @!p2 $0x0  }
0x1d: {  	s5 =	simm.s32 @p1 $0x1;
	p0 =	seq.s32 s7, s2  }
0x1e: {  	s7 =	smul.u32 @!p0 $0xF7A, s2;
	p2 =	seq.s32 @!p0 s5, $0x0  }
0x1f: {  	s9 =	smul.u32 $0xF7A, s1;
	s8 =	simm.s32 @!p0 $0x1BF5;
	p2 =	por !p2, p0  }
0x20: {  	[sflag:s8] =	ssyncset.s32 @!p0 $0xFFFFF086;
	s6 =	sadd.s32 @!p0 s3, s7;
	s7 =	simm.s32 @!p0 $0x108  }
0x21: {  	s3 =	sadd.s32 s3, s9;
	s6 =	sadd.s32 @!p0 $0x88, s6;
	s7 =	simm.s32 @p2 $0x1082  }
0x22: {  	[simem:s7], [sflag:s8] =	dma.local @!p0 [hbm:s6], $0xF7A  }
0x23: {  	s9 =	sor.u32 $0xD0000000, s2;
	s6 =	simm.s32 $0x108;
	_ =	swait.ge @!p0 [sflag:s8], $0x0  }
0x24: {  	s3 =	sadd.s32 $0x88, s3;
	s6 =	simm.s32 @!p1 $0x1082;
	[sflag:s4] =	ssyncset.s32 $0xFFFFF086  }
0x25: {  	[simem:s6], [sflag:s4] =	dma.local [hbm:s3], $0xF7A  }
0x26: {  	[smem:$0x3F9F] =	sst s1;
	(tag) =	ssettag s2;
	_ =	strace s9  }
0x27: {  	s1 =	sld [smem:$0x3FAF]  }
0x28: {  	s2 =	sld [smem:$0x3FB0]  }
0x29: {  	s4 =	sld [smem:$0x3FB2]  }
0x2a: {  	p0 =	seq.s32 s5, $0x0;
	s5 =	sld [smem:$0x3FB3]  }
0x2b: {  	s6 =	sld [smem:$0x3FB4]  }
0x2c: {  	s7 =	sld [smem:$0x3FB5]  }
0x2d: {  	s3 =	simm.s32 $0x108;
	s8 =	sld [smem:$0x3FB6]  }
0x2e: {  	s3 =	simm.s32 @!p0 $0x1082;
	s9 =	sld [smem:$0x3FB7]  }
0x2f: {  	lr =	sadd.s32 s0, s3;
	s0 =	sld [smem:$0x3FAE]  }
0x30: {  	s3 =	sld [smem:$0x3FB1]  }
0x31: {  	[smem:$0x3FBA] =	sst s10  }
0x32: {  	s10 =	sld [smem:$0x3FB8];
	_ =	sdelay $0x3  }
0x33: {  	p0 =	seq.s32 s10, $0x1;
	s10 =	sld [smem:$0x3FBA];
	_ =	sdelay $0x3  }
0x34: {  	[smem:$0x3FBA] =	sst s10  }
0x35: {  	s10 =	sld [smem:$0x3FB9];
	_ =	sdelay $0x3  }
0x36: {  	p1 =	seq.s32 s10, $0x1;
	s10 =	sld [smem:$0x3FBA];
	_ =	sdelay $0x3  }
0x37: {  	[smem:$0x3FBA] =	sst s10  }
0x38: {  	s10 =	sld [smem:$0x3FBB]  }
0x39: {  	_ = 	snop;
	(pc) =	sbr.ind lr, $3  }
0x3a: {  	_ = 	snop  }
0x3b: {  	_ = 	snop  }
0x3c: {  	p2 =	seq.s32 s10, $0x1;
	s10 =	sld [smem:$0x3FBA]  }
0x3d: {  	_ =	shalt  }
0x3e: {  	_ =	shalt  }
0x3f: {  	_ =	shalt  }
0x40: {  	_ =	shalt  }
0x41: {  	_ =	shalt  }
0x42: {  	_ =	shalt  }
0x43: {  	_ =	shalt  }
0x44: {  	_ =	shalt  }
0x45: {  	_ =	shalt  }
0x46: {  	_ =	shalt  }
0x47: {  	_ =	shalt  }
0x48: {  	_ =	shalt  }
0x49: {  	_ =	shalt  }
0x4a: {  	_ =	shalt  }
0x4b: {  	_ =	shalt  }
0x4c: {  	_ =	shalt  }
0x4d: {  	_ =	shalt  }
0x4e: {  	_ =	shalt  }
0x4f: {  	_ =	shalt  }
0x50: {  	_ =	shalt  }
0x51: {  	_ =	shalt  }
0x52: {  	_ =	shalt  }
0x53: {  	_ =	shalt  }
0x54: {  	_ =	shalt  }
0x55: {  	_ =	shalt  }
0x56: {  	_ =	shalt  }
0x57: {  	_ =	shalt  }
0x58: {  	_ =	shalt  }
0x59: {  	_ =	shalt  }
0x5a: {  	_ =	shalt  }
0x5b: {  	_ =	shalt  }
0x5c: {  	_ =	shalt  }
0x5d: {  	_ =	shalt  }
0x5e: {  	_ =	shalt  }
0x5f: {  	_ =	shalt  }
0x60: {  	_ =	shalt  }
0x61: {  	_ =	shalt  }
0x62: {  	_ =	shalt  }
0x63: {  	_ =	shalt  }
0x64: {  	_ =	shalt  }
0x65: {  	_ =	shalt  }
0x66: {  	_ =	shalt  }
0x67: {  	_ =	shalt  }
0x68: {  	_ =	shalt  }
0x69: {  	_ =	shalt  }
0x6a: {  	_ =	shalt  }
0x6b: {  	_ =	shalt  }
0x6c: {  	_ =	shalt  }
0x6d: {  	_ =	shalt  }
0x6e: {  	_ =	shalt  }
0x6f: {  	_ =	shalt  }
0x70: {  	_ =	shalt  }
0x71: {  	_ =	shalt  }
0x72: {  	_ =	shalt  }
0x73: {  	_ =	shalt  }
0x74: {  	_ =	shalt  }
0x75: {  	_ =	shalt  }
0x76: {  	_ =	shalt  }
0x77: {  	_ =	shalt  }
0x78: {  	_ =	shalt  }
0x79: {  	_ =	shalt  }
0x7a: {  	_ =	shalt  }
0x7b: {  	_ =	shalt  }
0x7c: {  	_ =	shalt  }
0x7d: {  	_ =	shalt  }
0x7e: {  	_ =	shalt  }
0x7f: {  	_ =	shalt  }
0x80: {  	_ =	shalt  }
0x81: {  	_ =	shalt  }
0x82: {  	_ =	shalt  }
0x83: {  	_ =	shalt  }
0x84: {  	_ =	shalt  }
0x85: {  	_ =	shalt  }
0x86: {  	_ =	shalt  }
0x87: {  	_ =	shalt  }
.Lfunc_end0:
.L_simem_size_0:
called_computation_lowered:
.L_overlay_start_0:
0x88: {  	s2 =	sld [smem:$0x3FD9]  }
0x89: {  	s3 =	sld [smem:$0x3FFE];
	_ =	sdelay $0x1  }
0x8a: {  	s1 =	srdreg.scid  }
0x8b: {  	s0 =	sand.u32 $0x1, s1  }
0x8c: {  	s16 =	sshll.u32 s0, $0xA;
	s2 =	sadd.s32 s3, s2  }
0x8d: {  	s2 =	sadd.s32 s2, s16  }
0x8e: {  	[smem:$0x3FC6] =	sst s2  }
0x8f: {  	_ = 	snop  }
0x90: {  	(tm) =	ssettm $0x1  }
0x91: {  	s17 =	sld [smem:$0x3FFB];
	_ =	sdelay $0x3  }
0x92: {  	_ =	strace s17  }
0x93: {  	s2 =	sld [smem:$0x3FFC];
	_ =	sdelay $0x3  }
0x94: {  	_ =	strace s2  }
0x95: {  	s2 =	sld [smem:$0x3FFD];
	_ =	sdelay $0x3  }
0x96: {  	_ =	strace s2  }
0x97: {  	_ =	strace $0x8FFFFFFF  }
0x98: {  	s18 =	sld [smem:$0x3FDB];
	_ =	sdelay $0x1  }
0x99: {  	s19 =	simm.s32 $_scs_section_size  }
0x9a: {  	s4 =	simm.s32 $_size__tile_overlayer_lowered;
	s5 =	simm.s32 $_tile_overlayer_lowered  }
0x9b: {  	s22 =	simm.s32 $0x1BFF;
	s21 =	sshll.u32 s5, $0x1;
	s2 =	sadd.s32 s19, s18  }
0x9c: {  	s6 =	simm.s32 $0x0;
	s20 =	sshll.u32 s4, $0x1;
	s4 =	sadd.s32 s21, s2  }
0x9d: {  	[timem:s6], [sflag:s22] =	dma.local [hbm:s4], s20  }
0x9e: {  	_ =	swait.ge [sflag:s22], s20  }
0x9f: {  	s3 =	ssub.s32 $0x0, s20;
	[sflag:s22] =	ssyncset.done $0x0  }
0xa0: {  	[sflag:s22] =	ssyncadd.s32 s3;
	_ =	sdelay $0x1  }
0xa1: {  	s23 =	simm.s32 $0x1B8B  }
0xa2: {  	_ =	swait.ge [sflag:s23], $0x1  }
0xa3: {  	[sflag:s23] =	ssyncset.done $0x0  }
0xa4: {  	s25 =	simm.s32 $0x1B8E;
	s24 =	sld [smem:$0x3FFE];
	[sflag:s23] =	ssyncadd.s32 $0xFFFFFFFF  }
0xa5: {  	s26 =	simm.s32 $execute0_lowered;
	[smem:$0x3FD2] =	sst s25  }
0xa6: {  	s4 =	sshll.u32 s26, $0x1;
	_ =	strace $0x80000046;
	[dreg:$0x1] =	wrdreg $0xFFFFFFFF  }
0xa7: {  	s28 =	simm.s32 $_size_execute0_lowered;
	s2 =	sadd.s32 s2, s4;
	[dreg:$0x0] =	wrdreg $0x0  }
0xa8: {  	s4 =	sshll.u32 s28, $0x1;
	[dreg:$0x2] =	wrdreg s2  }
0xa9: {  	[dreg:$0x3] =	wrdreg s4  }
0xaa: {  	[dreg:$0x4] =	wrdreg $0xC0  }
0xab: {  	_ =	task [dreg:s6], $0x5FFFF  }
0xac: {  	[dreg:$0x1] =	wrdreg $0xFFFFFFFF  }
0xad: {  	[dreg:$0x0] =	wrdreg $0x60  }
0xae: {  	[dreg:$0x2] =	wrdreg s24  }
0xaf: {  	[dreg:$0x3] =	wrdreg $0x28800  }
0xb0: {  	[dreg:$0x4] =	wrdreg $0x9  }
0xb1: {  	_ =	task.clear_ibuf [dreg:s6], $0x5FFFF;
	_ =	strace $0x90000046  }
0xb2: {  	s29 =	simm.s32 $0x9;
	_ =	strace $0x80000048  }
0xb3: {  	_ =	swait.ge [sflag:s29], $0x1  }
0xb4: {  	[sflag:s29] =	ssyncadd.s32 $0xFFFFFFFF  }
0xb5: {  	_ =	strace $0x90000048  }
0xb6: {  	_ =	sfence  }
0xb7: {  	s30 =	sld [smem:$0x0];
	_ =	sdelay $0x2  }
0xb8: {  	s31 =	sshll.u32 s1, $0xD;
	s1 =	sshrl.u32 s1, $0x2  }
0xb9: {  	s3 =	sand.u32 $0x4000, s31;
	s1 =	sadd.s32 s1, s30  }
0xba: {  	s0 =	sor.u32 s3, s0;
	s1 =	sshll.u32 s1, $0x11  }
0xbb: {  	s0 =	sor.u32 s1, s0  }
0xbc: {  	s0 =	sadd.s32 $0x8F2B, s0  }
0xbd: {  	[sflag:s0] =	ssyncadd.remote.s32 $0x1  }
0xbe: {  	_ =	sfence.sel $0xFFFF  }
0xbf: {  	[dreg:$0x0] =	wrdreg $0xFFFFFFFF;
	(pc) =	sbr.abs _section_cstart, $3  }
0xc0: {  	[dreg:$0x1] =	wrdreg $0xFFFFFFFF  }
0xc1: {  	_ =	task.clear_ibuf [dreg:s6], $0x2FFFF;
	_ =	strace $0x9FFFFFFF  }
0xc2: {  	(tm) =	ssettm $0x7FFFFFFF  }
0xc3: {  	_ =	shalt  }
tec
execute0_lowered:
.L_overlay_start_1:
0x0: {  	(tag) =	ssettag $0x1  }
0x1: {  	s6 =	rddreg [dreg:$0x0]  }
0x2: {  	s0 =	srdreg.scid;
	s2 =	rddreg [dreg:$0x1]  }
0x3: {  	s1 =	stileid.u32;
	s3 =	simm.s32 $0x0;
	s15 =	simm.s32 $0x10  }
0x4: {  	s16 =	simm.s32 $0x0;
	s7 =	sand.u32 $0x1, s0;
	s0 =	rddreg [dreg:$0x2]  }
0x5: {  	[smem:$0x7FF] =	sst s3;
	s10 =	smul.u32 $0xA00, s1;
	s5 =	sadd.s32 $0xBE00, s6  }
0x6: {  	s11 =	sshll.u32 s1, $0x6;
	s14 =	smul.u32 $0xA0, s1;
	s8 =	sshll.u32 s7, $0x4  }
0x7: {  	_ =	strace $0x80000047;
	s31 =	ssub.s32 $0x2, s7;
	s4 =	sor.u32 s1, s8  }
0x8: {  	s8 =	sadd.s32 s8, s6;
	s7 =	sshrl.u32 s31, $0x1;
	s10 =	sshrl.u32 s10, $0x2  }
0x9: {  	s4 =	smul.u32 $0x500, s4;
	s12 =	ssub.s32 s31, s7;
	s10 =	sadd.s32 s10, s2  }
0xa: {  	s13 =	sadd.s32 $0xC000, s8;
	s8 =	smax.u32 s12, $0x1;
	s12 =	simm.s32 $0x7D  }
0xb: {  	s13 =	sadd.s32 s14, s13;
	s14 =	simm.s32 $0x20;
	s9 =	sadd.s32 s4, s6  }
0xc: {  	s4 =	sadd.s32 $0xBC00, s6;
	s6 =	sor.u32 $0x1C01, s11;
	s11 =	simm.s32 $0x2800  }
0xd: {  	s7 =	sadd.s32 $0x1C00, s9;
	s9 =	sshrl.u32 s10, $0x3;
	s10 =	simm.s32 $0x1  }
.LBB2_1:
0xe: {  	[spmem:s9], [sflag:s6] =	dma.local [hbm:s5], $0x50  }
0xf: {  	_ =	swait.ge [sflag:s10], $0x50  }
0x10: {  	[sflag:s10] =	ssyncset.done $0x0  }
0x11: {  	[sflag:s10] =	ssyncadd.s32 $0xFFFFFFB0  }
0x12: {  	[tilespmem:s3], [sflag:$0x1] =	stream.linear.gather [hbm4b:s7+s3], $0x2800, $0x38;
	[tilespmem:$0x2B00] =	vst v63  }
0x13: {  	_ =	swait.ge [sflag:s10], $0x2800  }
0x14: {  	[sflag:s10] =	ssyncset.done $0x0  }
0x15: {  	[sflag:s10] =	ssyncadd.s32 $0xFFFFD800  }
0x16: {  	[tilespmem:s11], [sflag:$0x1] =	stream.linear.gather [hbm4b:s4+s3], $0x80, $0x38;
	[tilespmem:$0x2B00] =	vst v63  }
0x17: {  	_ =	swait.ge [sflag:s10], $0x80  }
0x18: {  	[sflag:s10] =	ssyncset.done $0x0  }
0x19: {  	[sflag:s10] =	ssyncadd.s32 $0xFFFFFF80  }
0x1a: {  	s17 =	simm.s32 $0x0;
	[bflag:$0x0] =	sbarrier.arrive $0xFFFF  }
0x1b: {  	[spmem:s2] =	stream.indirect.scatter.add.f32 [tilespmem:s11], [sflag:$0x1], $0x1, s17, s12, $0xb8;
	[tilespmem:$0x2B00] =	vst v63  }
0x1c: {  	_ =	swait.ge [sflag:s10], $0x7D  }
0x1d: {  	s17 =	simm.s32 $0x200;
	[sflag:s10] =	ssyncset.done $0x0  }
.LBB2_2:
0x1e: {  	s18 =	sshra.s32 s17, $0x2;
	[sflag:s10] =	ssyncadd.s32 $0xFFFFFF83;
	p0 =	sne.s32 s17, $0x9E00  }
0x1f: {  	[spmem:s2] =	stream.indirect.scatter.add.f32 [tilespmem:s11], [sflag:$0x1], $0x1, s18, s12, $0xb8;
	[tilespmem:$0x2B00] =	vst v63  }
.Ltmp0:
0x20: {  	_ = 	snop;
	(pc) =	sbr.rel @p0 .LBB2_2-.Ltmp0, $4  }
0x21: {  	_ = 	snop  }
0x22: {  	s17 =	sadd.s32 $0x200, s17  }
0x23: {  	_ =	swait.ge [sflag:s10], $0x7D  }
0x24: {  	[sflag:s10] =	ssyncset.done $0x0  }
0x25: {  	s16 =	sadd.s32 $0x1, s16  }
0x26: {  	[sflag:s10] =	ssyncadd.s32 $0xFFFFFF83;
	p0 =	sne.s32 s16, s8  }
.Ltmp1:
0x27: {  	[bflag:$0x0] =	sbarrier.arrive $0xFFFF;
	(pc) =	sbr.rel @p0 .LBB2_1-.Ltmp1, $4  }
0x28: {  	[hbm:s13@s14], [sflag:s6] =	dma.strided [spmem:s9@s15], $0x50, s10, $0x10   }
0x29: {  	_ =	swait.ge [sflag:s10], $0x50  }
0x2a: {  	[sflag:s10] =	ssyncset.done $0x0  }
0x2b: {  	[sflag:s10] =	ssyncadd.s32 $0xFFFFFFB0  }
0x2c: {  	_ =	sfence.sel $0x180000  }
0x2d: {  	[bflag:$0x0] =	sbarrier.arrive $0xFFFF  }
0x2e: {  	p0 =	sne.s32 s1, $0x0;
	_ =	strace $0x90000047  }
0x2f: {  	s0 =	sadd.s32 @!p0 $0x100000, s0;
	[bflag:$0x2] =	sbarrier.arrive $0xFFFF  }
0x30: {  	[sflag:s0] =	ssyncadd.tile.s32 @!p0 $0x1;
	_ =	shalt  }
.Lfunc_end2:
_tile_overlayer_lowered:
.L_overlay_start_2:
0x31: {  	(tag) =	ssettag $0x2  }
0x32: {  	s0 =	rddreg [dreg:$0x0];
	s2 =	stileid.u32  }
0x33: {  	s1 =	rddreg [dreg:$0x1];
	p0 =	sne.s32 s2, $0x0  }
0x34: {  	s3 =	rddreg [dreg:$0x2];
	[bflag:$0x3] =	sbarrier.arrive $0xFFFF;
	s2 =	simm.s32 @!p0 $0x1C01  }
0x35: {  	[timem:s3], [sflag:s2] =	dma.local @!p0 [hbm:s0], s1  }
0x36: {  	s0 =	simm.s32 @!p0 $0x1  }
0x37: {  	_ =	swait.ge @!p0 [sflag:s0], s1  }
0x38: {  	s1 =	ssub.s32 @!p0 $0x0, s1;
	[sflag:s0] =	ssyncset.done @!p0 $0x0  }
0x39: {  	[sflag:s0] =	ssyncadd.s32 @!p0 s1  }
0x3a: {  	[bflag:$0x3] =	sbarrier.arrive $0xFFFF  }
0x3b: {  	_ =	shalt  }

// kernel: kernel.14.cloned.1.call-start
scs
__scs_entry_jumppad:
0x0: {  	(pc) =	sbr.rel $0x88, $3  }
0x1: {  	(tag) =	ssettag $0x0;
	lr =	simm.s32 $0x1  }
0x2: {  	[smem:$0x3F9F] =	sst lr;
	_ =	strace $0xD0000000  }
0x3: {  	_ = 	snop  }
0x4: {  	_ = 	snop  }
0x5: {  	_ = 	snop  }
0x6: {  	_ = 	snop  }
0x7: {  	_ = 	snop  }
__scs_overlays_trampoline_lowered:
0x8: {  	[smem:$0x3FAE] =	sst s0  }
0x9: {  	[smem:$0x3FAF] =	sst s1  }
0xa: {  	[smem:$0x3FB0] =	sst s2  }
0xb: {  	[smem:$0x3FB1] =	sst s3  }
0xc: {  	[smem:$0x3FB2] =	sst s4  }
0xd: {  	[smem:$0x3FB3] =	sst s5  }
0xe: {  	[smem:$0x3FB4] =	sst s6  }
0xf: {  	[smem:$0x3FB5] =	sst s7  }
0x10: {  	[smem:$0x3FB6] =	sst s8  }
0x11: {  	[smem:$0x3FB7] =	sst s9;
	s0 =	simm.s32 @!p0 $0x0  }
0x12: {  	s1 =	sld [smem:$0x3F9D];
	s0 =	simm.s32 @p0 $0x1  }
0x13: {  	[smem:$0x3FB8] =	sst s0;
	s0 =	simm.s32 @!p1 $0x0  }
0x14: {  	s2 =	sld [smem:$0x3F9C];
	s0 =	simm.s32 @p1 $0x1  }
0x15: {  	[smem:$0x3FB9] =	sst s0;
	s0 =	simm.s32 @!p2 $0x0  }
0x16: {  	s3 =	sld [smem:$0x3FDB];
	s0 =	simm.s32 @p2 $0x1  }
0x17: {  	s4 =	simm.s32 $0x1BF5;
	[smem:$0x3FBB] =	sst s0  }
0x18: {  	s0 =	sld [smem:$0x3F9E];
	_ =	swait.ge [sflag:s4], $0x0  }
0x19: {  	s7 =	sld [smem:$0x3F9F]  }
0x1a: {  	s8 =	sadd.s32 $0xFFFFE003, lr  }
0x1b: {  	s9 =	sadd.s32 $0xFFFFFEF7, lr;
	s5 =	simm.s32 $0xFFFFFFFF;
	p2 =	slt.u32 s8, $0xFFFFF086  }
0x1c: {  	p1 =	slt.u32 s9, $0xF7A;
	s5 =	simm.s32 @!p2 $0x0  }
0x1d: {  	s5 =	simm.s32 @p1 $0x1;
	p0 =	seq.s32 s7, s2  }
0x1e: {  	s7 =	smul.u32 @!p0 $0xF7A, s2;
	p2 =	seq.s32 @!p0 s5, $0x0  }
0x1f: {  	s9 =	smul.u32 $0xF7A, s1;
	s8 =	simm.s32 @!p0 $0x1BF5;
	p2 =	por !p2, p0  }
0x20: {  	[sflag:s8] =	ssyncset.s32 @!p0 $0xFFFFF086;
	s6 =	sadd.s32 @!p0 s3, s7;
	s7 =	simm.s32 @!p0 $0x108  }
0x21: {  	s3 =	sadd.s32 s3, s9;
	s6 =	sadd.s32 @!p0 $0x88, s6;
	s7 =	simm.s32 @p2 $0x1082  }
0x22: {  	[simem:s7], [sflag:s8] =	dma.local @!p0 [hbm:s6], $0xF7A  }
0x23: {  	s9 =	sor.u32 $0xD0000000, s2;
	s6 =	simm.s32 $0x108;
	_ =	swait.ge @!p0 [sflag:s8], $0x0  }
0x24: {  	s3 =	sadd.s32 $0x88, s3;
	s6 =	simm.s32 @!p1 $0x1082;
	[sflag:s4] =	ssyncset.s32 $0xFFFFF086  }
0x25: {  	[simem:s6], [sflag:s4] =	dma.local [hbm:s3], $0xF7A  }
0x26: {  	[smem:$0x3F9F] =	sst s1;
	(tag) =	ssettag s2;
	_ =	strace s9  }
0x27: {  	s1 =	sld [smem:$0x3FAF]  }
0x28: {  	s2 =	sld [smem:$0x3FB0]  }
0x29: {  	s4 =	sld [smem:$0x3FB2]  }
0x2a: {  	p0 =	seq.s32 s5, $0x0;
	s5 =	sld [smem:$0x3FB3]  }
0x2b: {  	s6 =	sld [smem:$0x3FB4]  }
0x2c: {  	s7 =	sld [smem:$0x3FB5]  }
0x2d: {  	s3 =	simm.s32 $0x108;
	s8 =	sld [smem:$0x3FB6]  }
0x2e: {  	s3 =	simm.s32 @!p0 $0x1082;
	s9 =	sld [smem:$0x3FB7]  }
0x2f: {  	lr =	sadd.s32 s0, s3;
	s0 =	sld [smem:$0x3FAE]  }
0x30: {  	s3 =	sld [smem:$0x3FB1]  }
0x31: {  	[smem:$0x3FBA] =	sst s10  }
0x32: {  	s10 =	sld [smem:$0x3FB8];
	_ =	sdelay $0x3  }
0x33: {  	p0 =	seq.s32 s10, $0x1;
	s10 =	sld [smem:$0x3FBA];
	_ =	sdelay $0x3  }
0x34: {  	[smem:$0x3FBA] =	sst s10  }
0x35: {  	s10 =	sld [smem:$0x3FB9];
	_ =	sdelay $0x3  }
0x36: {  	p1 =	seq.s32 s10, $0x1;
	s10 =	sld [smem:$0x3FBA];
	_ =	sdelay $0x3  }
0x37: {  	[smem:$0x3FBA] =	sst s10  }
0x38: {  	s10 =	sld [smem:$0x3FBB]  }
0x39: {  	_ = 	snop;
	(pc) =	sbr.ind lr, $3  }
0x3a: {  	_ = 	snop  }
0x3b: {  	_ = 	snop  }
0x3c: {  	p2 =	seq.s32 s10, $0x1;
	s10 =	sld [smem:$0x3FBA]  }
0x3d: {  	_ =	shalt  }
0x3e: {  	_ =	shalt  }
0x3f: {  	_ =	shalt  }
0x40: {  	_ =	shalt  }
0x41: {  	_ =	shalt  }
0x42: {  	_ =	shalt  }
0x43: {  	_ =	shalt  }
0x44: {  	_ =	shalt  }
0x45: {  	_ =	shalt  }
0x46: {  	_ =	shalt  }
0x47: {  	_ =	shalt  }
0x48: {  	_ =	shalt  }
0x49: {  	_ =	shalt  }
0x4a: {  	_ =	shalt  }
0x4b: {  	_ =	shalt  }
0x4c: {  	_ =	shalt  }
0x4d: {  	_ =	shalt  }
0x4e: {  	_ =	shalt  }
0x4f: {  	_ =	shalt  }
0x50: {  	_ =	shalt  }
0x51: {  	_ =	shalt  }
0x52: {  	_ =	shalt  }
0x53: {  	_ =	shalt  }
0x54: {  	_ =	shalt  }
0x55: {  	_ =	shalt  }
0x56: {  	_ =	shalt  }
0x57: {  	_ =	shalt  }
0x58: {  	_ =	shalt  }
0x59: {  	_ =	shalt  }
0x5a: {  	_ =	shalt  }
0x5b: {  	_ =	shalt  }
0x5c: {  	_ =	shalt  }
0x5d: {  	_ =	shalt  }
0x5e: {  	_ =	shalt  }
0x5f: {  	_ =	shalt  }
0x60: {  	_ =	shalt  }
0x61: {  	_ =	shalt  }
0x62: {  	_ =	shalt  }
0x63: {  	_ =	shalt  }
0x64: {  	_ =	shalt  }
0x65: {  	_ =	shalt  }
0x66: {  	_ =	shalt  }
0x67: {  	_ =	shalt  }
0x68: {  	_ =	shalt  }
0x69: {  	_ =	shalt  }
0x6a: {  	_ =	shalt  }
0x6b: {  	_ =	shalt  }
0x6c: {  	_ =	shalt  }
0x6d: {  	_ =	shalt  }
0x6e: {  	_ =	shalt  }
0x6f: {  	_ =	shalt  }
0x70: {  	_ =	shalt  }
0x71: {  	_ =	shalt  }
0x72: {  	_ =	shalt  }
0x73: {  	_ =	shalt  }
0x74: {  	_ =	shalt  }
0x75: {  	_ =	shalt  }
0x76: {  	_ =	shalt  }
0x77: {  	_ =	shalt  }
0x78: {  	_ =	shalt  }
0x79: {  	_ =	shalt  }
0x7a: {  	_ =	shalt  }
0x7b: {  	_ =	shalt  }
0x7c: {  	_ =	shalt  }
0x7d: {  	_ =	shalt  }
0x7e: {  	_ =	shalt  }
0x7f: {  	_ =	shalt  }
0x80: {  	_ =	shalt  }
0x81: {  	_ =	shalt  }
0x82: {  	_ =	shalt  }
0x83: {  	_ =	shalt  }
0x84: {  	_ =	shalt  }
0x85: {  	_ =	shalt  }
0x86: {  	_ =	shalt  }
0x87: {  	_ =	shalt  }
.Lfunc_end0:
.L_simem_size_0:
called_computation.1_lowered:
.L_overlay_start_0:
0x88: {  	s2 =	sld [smem:$0x3FD9]  }
0x89: {  	s3 =	sld [smem:$0x3FFE];
	_ =	sdelay $0x1  }
0x8a: {  	s1 =	srdreg.scid  }
0x8b: {  	s0 =	sand.u32 $0x1, s1  }
0x8c: {  	s17 =	sshll.u32 s0, $0xA;
	s2 =	sadd.s32 s3, s2  }
0x8d: {  	s2 =	sadd.s32 s2, s17  }
0x8e: {  	[smem:$0x3FC6] =	sst s2  }
0x8f: {  	_ = 	snop  }
0x90: {  	s2 =	sld [smem:$0x3FD0];
	(tm) =	ssettm $0x1  }
0x91: {  	s18 =	sld [smem:$0x3FFB];
	_ =	sdelay $0x3  }
0x92: {  	_ =	strace s18  }
0x93: {  	s3 =	sld [smem:$0x3FFC];
	_ =	sdelay $0x3  }
0x94: {  	_ =	strace s3  }
0x95: {  	s3 =	sld [smem:$0x3FFD];
	_ =	sdelay $0x3  }
0x96: {  	_ =	strace s3  }
0x97: {  	_ =	strace $0x8FFFFFFF  }
0x98: {  	s19 =	sld [smem:$0x3FDB];
	_ =	sdelay $0x1  }
0x99: {  	s4 =	simm.s32 $_scs_section_size  }
0x9a: {  	s5 =	simm.s32 $_size__tile_overlayer_lowered;
	s6 =	simm.s32 $_tile_overlayer_lowered  }
0x9b: {  	s22 =	simm.s32 $0x1BFF;
	s21 =	sshll.u32 s6, $0x1;
	s3 =	sadd.s32 s4, s19  }
0x9c: {  	s7 =	simm.s32 $0x0;
	s20 =	sshll.u32 s5, $0x1;
	s5 =	sadd.s32 s21, s3  }
0x9d: {  	[timem:s7], [sflag:s22] =	dma.local [hbm:s5], s20  }
0x9e: {  	_ =	swait.ge [sflag:s22], s20  }
0x9f: {  	s4 =	ssub.s32 $0x0, s20;
	[sflag:s22] =	ssyncset.done $0x0  }
0xa0: {  	[sflag:s22] =	ssyncadd.s32 s4;
	_ =	sdelay $0x1  }
0xa1: {  	s23 =	simm.s32 $0x1B8B  }
0xa2: {  	_ =	swait.ge [sflag:s23], $0x1  }
0xa3: {  	[sflag:s23] =	ssyncset.done $0x0  }
0xa4: {  	s25 =	simm.s32 $0x1B8E;
	s24 =	sld [smem:$0x3FFE];
	[sflag:s23] =	ssyncadd.s32 $0xFFFFFFFF  }
0xa5: {  	s26 =	simm.s32 $execute0_lowered;
	[smem:$0x3FD2] =	sst s25  }
0xa6: {  	s5 =	sshll.u32 s26, $0x1;
	_ =	strace $0x80000049;
	[dreg:$0x1] =	wrdreg $0xFFFFFFFF  }
0xa7: {  	s28 =	simm.s32 $_size_execute0_lowered;
	s3 =	sadd.s32 s3, s5;
	[dreg:$0x0] =	wrdreg $0x0  }
0xa8: {  	s5 =	sshll.u32 s28, $0x1;
	[dreg:$0x2] =	wrdreg s3  }
0xa9: {  	[dreg:$0x3] =	wrdreg s5  }
0xaa: {  	[dreg:$0x4] =	wrdreg $0xC0  }
0xab: {  	_ =	task [dreg:s7], $0x5FFFF  }
0xac: {  	[dreg:$0x1] =	wrdreg $0xFFFFFFFF  }
0xad: {  	[dreg:$0x0] =	wrdreg $0x60  }
0xae: {  	[dreg:$0x2] =	wrdreg s2  }
0xaf: {  	[dreg:$0x3] =	wrdreg s24  }
0xb0: {  	[dreg:$0x4] =	wrdreg $0x90000  }
0xb1: {  	[dreg:$0x5] =	wrdreg $0x9  }
0xb2: {  	_ =	task.clear_ibuf [dreg:s7], $0x6FFFF;
	_ =	strace $0x90000049  }
0xb3: {  	s29 =	simm.s32 $0x9;
	_ =	strace $0x8000004B  }
0xb4: {  	_ =	swait.ge [sflag:s29], $0x1  }
0xb5: {  	[sflag:s29] =	ssyncadd.s32 $0xFFFFFFFF  }
0xb6: {  	_ =	strace $0x9000004B  }
0xb7: {  	_ =	sfence  }
0xb8: {  	s30 =	sld [smem:$0x0];
	_ =	sdelay $0x2  }
0xb9: {  	s31 =	sshll.u32 s1, $0xD;
	s1 =	sshrl.u32 s1, $0x2  }
0xba: {  	s3 =	sand.u32 $0x4000, s31;
	s1 =	sadd.s32 s1, s30  }
0xbb: {  	s0 =	sor.u32 s3, s0;
	s1 =	sshll.u32 s1, $0x11  }
0xbc: {  	s0 =	sor.u32 s1, s0  }
0xbd: {  	s0 =	sadd.s32 $0x8F2B, s0  }
0xbe: {  	[sflag:s0] =	ssyncadd.remote.s32 $0x1  }
0xbf: {  	_ =	sfence.sel $0xFFFF  }
0xc0: {  	[dreg:$0x0] =	wrdreg $0xFFFFFFFF;
	(pc) =	sbr.abs _section_cstart, $3  }
0xc1: {  	[dreg:$0x1] =	wrdreg $0xFFFFFFFF  }
0xc2: {  	_ =	task.clear_ibuf [dreg:s7], $0x2FFFF;
	_ =	strace $0x9FFFFFFF  }
0xc3: {  	(tm) =	ssettm $0x7FFFFFFF  }
tec
execute0_lowered:
.L_overlay_start_1:
0x0: {  	(tag) =	ssettag $0x1  }
0x1: {  	s7 =	rddreg [dreg:$0x0]  }
0x2: {  	s6 =	rddreg [dreg:$0x1]  }
0x3: {  	s1 =	rddreg [dreg:$0x2]  }
0x4: {  	s0 =	rddreg [dreg:$0x3];
	s2 =	simm.s32 $0x0  }
0x5: {  	s3 =	srdreg.scid;
	[smem:$0x7FF] =	sst s2;
	s4 =	sadd.s32 $0x1C00, s6  }
0x6: {  	s5 =	sadd.s32 $0x29C00, s6;
	s8 =	sand.u32 $0x1, s3;
	s3 =	stileid.u32  }
0x7: {  	_ =	strace $0x8000004A;
	s9 =	smul.u32 $0x28000, s8;
	s10 =	sshll.u32 s8, $0x4  }
0x8: {  	s8 =	ssub.s32 $0x2, s8;
	s11 =	smul.u32 $0x50000, s3;
	s31 =	sshll.u32 s3, $0x6  }
0x9: {  	s14 =	smul.u32 $0x2800, s3;
	s10 =	sor.u32 s3, s10;
	s29 =	sshrl.u32 s8, $0x1  }
0xa: {  	s9 =	sadd.s32 s9, s6;
	s10 =	smul.u32 $0xA00, s10;
	s8 =	ssub.s32 s8, s29  }
0xb: {  	s30 =	sshrl.u32 s11, $0x2;
	s6 =	sor.u32 $0x1C01, s31;
	s11 =	simm.s32 $0x7D  }
0xc: {  	s12 =	sadd.s32 s30, s1;
	s13 =	sadd.s32 $0x2C400, s9;
	s8 =	smax.u32 s8, $0x1  }
0xd: {  	s7 =	sadd.s32 s7, s10;
	s9 =	sshrl.u32 s12, $0x3;
	s10 =	simm.s32 $0x1  }
0xe: {  	s12 =	simm.s32 $0x5000;
	s13 =	sadd.s32 s14, s13;
	s14 =	simm.s32 $0x0  }
.LBB2_1:
0xf: {  	[spmem:s9], [sflag:s6] =	dma.local [hbm:s5], $0x2800  }
0x10: {  	_ =	swait.ge [sflag:s10], $0x2800  }
0x11: {  	[sflag:s10] =	ssyncset.done $0x0  }
0x12: {  	[sflag:s10] =	ssyncadd.s32 $0xFFFFD800  }
0x13: {  	[tilespmem:s2], [sflag:$0x1] =	stream.linear.gather [hbm4b:s7+s2], $0x5000, $0x38;
	[tilespmem:$0x1D000] =	vst v63  }
0x14: {  	_ =	swait.ge [sflag:s10], $0x5000  }
0x15: {  	[sflag:s10] =	ssyncset.done $0x0  }
0x16: {  	[sflag:s10] =	ssyncadd.s32 $0xFFFFB000  }
0x17: {  	s15 =	simm.s32 $0x0;
	[bflag:$0x0] =	sbarrier.arrive $0xFFFF  }
0x18: {  	[tilespmem:s12], [sflag:$0x1] =	stream.indirect.gather [hbm4b:s4+s11], $0x80, s15, s11, $0xb8;
	[tilespmem:$0x1D000] =	vst v63  }
0x19: {  	_ =	swait.ge [sflag:s10], $0x3E80  }
0x1a: {  	[sflag:s10] =	ssyncset.done $0x0  }
0x1b: {  	s31 =	simm.s32 $0x2800;
	[sflag:s10] =	ssyncadd.s32 $0xFFFFC180  }
0x1c: {  	[spmem:s1] =	stream.indirect.scatter.add.f32 [tilespmem:s12], [sflag:$0x1], $0x80, s31, s11, $0xb8;
	[tilespmem:$0x1D000] =	vst v63  }
0x1d: {  	_ =	swait.ge [sflag:s10], $0x3E80  }
0x1e: {  	s16 =	simm.s32 $0x400;
	s15 =	simm.s32 $0x200;
	[sflag:s10] =	ssyncset.done $0x0  }
.LBB2_2:
0x1f: {  	s17 =	sshra.s32 s15, $0x2  }
0x20: {  	[sflag:s10] =	ssyncadd.s32 $0xFFFFC180;
	s15 =	smov.u32 s16;
	s18 =	sadd.s32 $0x200, s16  }
0x21: {  	[tilespmem:s12], [sflag:$0x1] =	stream.indirect.gather [hbm4b:s4+s11], $0x80, s17, s11, $0xb8;
	[tilespmem:$0x1D000] =	vst v63  }
0x22: {  	p0 =	sne.s32 s16, $0x9E00;
	_ =	swait.ge [sflag:s10], $0x3E80  }
.Ltmp0:
0x23: {  	[sflag:s10] =	ssyncset.done $0x0;
	(pc) =	sbr.rel @p0 .LBB2_2-.Ltmp0, $4  }
0x24: {  	s16 =	sadd.s32 $0x2800, s17;
	[sflag:s10] =	ssyncadd.s32 $0xFFFFC180  }
0x25: {  	[spmem:s1] =	stream.indirect.scatter.add.f32 [tilespmem:s12], [sflag:$0x1], $0x80, s16, s11, $0xb8;
	[tilespmem:$0x1D000] =	vst v63  }
0x26: {  	_ =	swait.ge [sflag:s10], $0x3E80  }
0x27: {  	s16 =	smov.u32 s18;
	[sflag:s10] =	ssyncset.done $0x0  }
0x28: {  	s15 =	sshra.s32 s15, $0x2;
	[sflag:s10] =	ssyncadd.s32 $0xFFFFC180  }
0x29: {  	[tilespmem:s12], [sflag:$0x1] =	stream.indirect.gather [hbm4b:s4+s11], $0x80, s15, s11, $0xb8;
	[tilespmem:$0x1D000] =	vst v63  }
0x2a: {  	_ =	swait.ge [sflag:s10], $0x3E80  }
0x2b: {  	[sflag:s10] =	ssyncset.done $0x0  }
0x2c: {  	s15 =	sadd.s32 $0x2800, s15;
	[sflag:s10] =	ssyncadd.s32 $0xFFFFC180  }
0x2d: {  	[spmem:s1] =	stream.indirect.scatter.add.f32 [tilespmem:s12], [sflag:$0x1], $0x80, s15, s11, $0xb8;
	[tilespmem:$0x1D000] =	vst v63  }
0x2e: {  	_ =	swait.ge [sflag:s10], $0x3E80  }
0x2f: {  	s14 =	sadd.s32 $0x1, s14;
	[sflag:s10] =	ssyncset.done $0x0  }
0x30: {  	p0 =	sne.s32 s14, s8;
	[sflag:s10] =	ssyncadd.s32 $0xFFFFC180  }
.Ltmp1:
0x31: {  	[bflag:$0x0] =	sbarrier.arrive $0xFFFF;
	(pc) =	sbr.rel @p0 .LBB2_1-.Ltmp1, $4  }
0x32: {  	[hbm:s13], [sflag:s6] =	dma.local [spmem:s9], $0x2800  }
0x33: {  	_ =	swait.ge [sflag:s10], $0x2800  }
0x34: {  	[sflag:s10] =	ssyncset.done $0x0  }
0x35: {  	[sflag:s10] =	ssyncadd.s32 $0xFFFFD800  }
0x36: {  	_ =	sfence.sel $0x180000  }
0x37: {  	[bflag:$0x0] =	sbarrier.arrive $0xFFFF  }
0x38: {  	p0 =	sne.s32 s3, $0x0;
	_ =	strace $0x9000004A  }
0x39: {  	s0 =	sadd.s32 @!p0 $0x100000, s0;
	[bflag:$0x2] =	sbarrier.arrive $0xFFFF  }
0x3a: {  	[sflag:s0] =	ssyncadd.tile.s32 @!p0 $0x1;
	_ =	shalt  }
.Lfunc_end2:
_tile_overlayer_lowered:
.L_overlay_start_2:
0x3b: {  	(tag) =	ssettag $0x2  }
0x3c: {  	s0 =	rddreg [dreg:$0x0];
	s2 =	stileid.u32  }
0x3d: {  	s1 =	rddreg [dreg:$0x1];
	p0 =	sne.s32 s2, $0x0  }
0x3e: {  	s3 =	rddreg [dreg:$0x2];
	[bflag:$0x3] =	sbarrier.arrive $0xFFFF;
	s2 =	simm.s32 @!p0 $0x1C01  }
0x3f: {  	[timem:s3], [sflag:s2] =	dma.local @!p0 [hbm:s0], s1  }
0x40: {  	s0 =	simm.s32 @!p0 $0x1  }
0x41: {  	_ =	swait.ge @!p0 [sflag:s0], s1  }
0x42: {  	s1 =	ssub.s32 @!p0 $0x0, s1;
	[sflag:s0] =	ssyncset.done @!p0 $0x0  }
0x43: {  	[sflag:s0] =	ssyncadd.s32 @!p0 s1  }
0x44: {  	[bflag:$0x3] =	sbarrier.arrive $0xFFFF  }
0x45: {  	_ =	shalt  }

// kernel: kernel.17.cloned.1.call-start
scs
__scs_entry_jumppad:
0x0: {  	(pc) =	sbr.rel $0x88, $3  }
0x1: {  	(tag) =	ssettag $0x0;
	lr =	simm.s32 $0x1  }
0x2: {  	[smem:$0x3F9F] =	sst lr;
	_ =	strace $0xD0000000  }
0x3: {  	_ = 	snop  }
0x4: {  	_ = 	snop  }
0x5: {  	_ = 	snop  }
0x6: {  	_ = 	snop  }
0x7: {  	_ = 	snop  }
__scs_overlays_trampoline_lowered:
0x8: {  	[smem:$0x3FAE] =	sst s0  }
0x9: {  	[smem:$0x3FAF] =	sst s1  }
0xa: {  	[smem:$0x3FB0] =	sst s2  }
0xb: {  	[smem:$0x3FB1] =	sst s3  }
0xc: {  	[smem:$0x3FB2] =	sst s4  }
0xd: {  	[smem:$0x3FB3] =	sst s5  }
0xe: {  	[smem:$0x3FB4] =	sst s6  }
0xf: {  	[smem:$0x3FB5] =	sst s7  }
0x10: {  	[smem:$0x3FB6] =	sst s8  }
0x11: {  	[smem:$0x3FB7] =	sst s9;
	s0 =	simm.s32 @!p0 $0x0  }
0x12: {  	s1 =	sld [smem:$0x3F9D];
	s0 =	simm.s32 @p0 $0x1  }
0x13: {  	[smem:$0x3FB8] =	sst s0;
	s0 =	simm.s32 @!p1 $0x0  }
0x14: {  	s2 =	sld [smem:$0x3F9C];
	s0 =	simm.s32 @p1 $0x1  }
0x15: {  	[smem:$0x3FB9] =	sst s0;
	s0 =	simm.s32 @!p2 $0x0  }
0x16: {  	s3 =	sld [smem:$0x3FDB];
	s0 =	simm.s32 @p2 $0x1  }
0x17: {  	s4 =	simm.s32 $0x1BF5;
	[smem:$0x3FBB] =	sst s0  }
0x18: {  	s0 =	sld [smem:$0x3F9E];
	_ =	swait.ge [sflag:s4], $0x0  }
0x19: {  	s7 =	sld [smem:$0x3F9F]  }
0x1a: {  	s8 =	sadd.s32 $0xFFFFE003, lr  }
0x1b: {  	s9 =	sadd.s32 $0xFFFFFEF7, lr;
	s5 =	simm.s32 $0xFFFFFFFF;
	p2 =	slt.u32 s8, $0xFFFFF086  }
0x1c: {  	p1 =	slt.u32 s9, $0xF7A;
	s5 =	simm.s32 @!p2 $0x0  }
0x1d: {  	s5 =	simm.s32 @p1 $0x1;
	p0 =	seq.s32 s7, s2  }
0x1e: {  	s7 =	smul.u32 @!p0 $0xF7A, s2;
	p2 =	seq.s32 @!p0 s5, $0x0  }
0x1f: {  	s9 =	smul.u32 $0xF7A, s1;
	s8 =	simm.s32 @!p0 $0x1BF5;
	p2 =	por !p2, p0  }
0x20: {  	[sflag:s8] =	ssyncset.s32 @!p0 $0xFFFFF086;
	s6 =	sadd.s32 @!p0 s3, s7;
	s7 =	simm.s32 @!p0 $0x108  }
0x21: {  	s3 =	sadd.s32 s3, s9;
	s6 =	sadd.s32 @!p0 $0x88, s6;
	s7 =	simm.s32 @p2 $0x1082  }
0x22: {  	[simem:s7], [sflag:s8] =	dma.local @!p0 [hbm:s6], $0xF7A  }
0x23: {  	s9 =	sor.u32 $0xD0000000, s2;
	s6 =	simm.s32 $0x108;
	_ =	swait.ge @!p0 [sflag:s8], $0x0  }
0x24: {  	s3 =	sadd.s32 $0x88, s3;
	s6 =	simm.s32 @!p1 $0x1082;
	[sflag:s4] =	ssyncset.s32 $0xFFFFF086  }
0x25: {  	[simem:s6], [sflag:s4] =	dma.local [hbm:s3], $0xF7A  }
0x26: {  	[smem:$0x3F9F] =	sst s1;
	(tag) =	ssettag s2;
	_ =	strace s9  }
0x27: {  	s1 =	sld [smem:$0x3FAF]  }
0x28: {  	s2 =	sld [smem:$0x3FB0]  }
0x29: {  	s4 =	sld [smem:$0x3FB2]  }
0x2a: {  	p0 =	seq.s32 s5, $0x0;
	s5 =	sld [smem:$0x3FB3]  }
0x2b: {  	s6 =	sld [smem:$0x3FB4]  }
0x2c: {  	s7 =	sld [smem:$0x3FB5]  }
0x2d: {  	s3 =	simm.s32 $0x108;
	s8 =	sld [smem:$0x3FB6]  }
0x2e: {  	s3 =	simm.s32 @!p0 $0x1082;
	s9 =	sld [smem:$0x3FB7]  }
0x2f: {  	lr =	sadd.s32 s0, s3;
	s0 =	sld [smem:$0x3FAE]  }
0x30: {  	s3 =	sld [smem:$0x3FB1]  }
0x31: {  	[smem:$0x3FBA] =	sst s10  }
0x32: {  	s10 =	sld [smem:$0x3FB8];
	_ =	sdelay $0x3  }
0x33: {  	p0 =	seq.s32 s10, $0x1;
	s10 =	sld [smem:$0x3FBA];
	_ =	sdelay $0x3  }
0x34: {  	[smem:$0x3FBA] =	sst s10  }
0x35: {  	s10 =	sld [smem:$0x3FB9];
	_ =	sdelay $0x3  }
0x36: {  	p1 =	seq.s32 s10, $0x1;
	s10 =	sld [smem:$0x3FBA];
	_ =	sdelay $0x3  }
0x37: {  	[smem:$0x3FBA] =	sst s10  }
0x38: {  	s10 =	sld [smem:$0x3FBB]  }
0x39: {  	_ = 	snop;
	(pc) =	sbr.ind lr, $3  }
0x3a: {  	_ = 	snop  }
0x3b: {  	_ = 	snop  }
0x3c: {  	p2 =	seq.s32 s10, $0x1;
	s10 =	sld [smem:$0x3FBA]  }
0x3d: {  	_ =	shalt  }
0x3e: {  	_ =	shalt  }
0x3f: {  	_ =	shalt  }
0x40: {  	_ =	shalt  }
0x41: {  	_ =	shalt  }
0x42: {  	_ =	shalt  }
0x43: {  	_ =	shalt  }
0x44: {  	_ =	shalt  }
0x45: {  	_ =	shalt  }
0x46: {  	_ =	shalt  }
0x47: {  	_ =	shalt  }
0x48: {  	_ =	shalt  }
0x49: {  	_ =	shalt  }
0x4a: {  	_ =	shalt  }
0x4b: {  	_ =	shalt  }
0x4c: {  	_ =	shalt  }
0x4d: {  	_ =	shalt  }
0x4e: {  	_ =	shalt  }
0x4f: {  	_ =	shalt  }
0x50: {  	_ =	shalt  }
0x51: {  	_ =	shalt  }
0x52: {  	_ =	shalt  }
0x53: {  	_ =	shalt  }
0x54: {  	_ =	shalt  }
0x55: {  	_ =	shalt  }
0x56: {  	_ =	shalt  }
0x57: {  	_ =	shalt  }
0x58: {  	_ =	shalt  }
0x59: {  	_ =	shalt  }
0x5a: {  	_ =	shalt  }
0x5b: {  	_ =	shalt  }
0x5c: {  	_ =	shalt  }
0x5d: {  	_ =	shalt  }
0x5e: {  	_ =	shalt  }
0x5f: {  	_ =	shalt  }
0x60: {  	_ =	shalt  }
0x61: {  	_ =	shalt  }
0x62: {  	_ =	shalt  }
0x63: {  	_ =	shalt  }
0x64: {  	_ =	shalt  }
0x65: {  	_ =	shalt  }
0x66: {  	_ =	shalt  }
0x67: {  	_ =	shalt  }
0x68: {  	_ =	shalt  }
0x69: {  	_ =	shalt  }
0x6a: {  	_ =	shalt  }
0x6b: {  	_ =	shalt  }
0x6c: {  	_ =	shalt  }
0x6d: {  	_ =	shalt  }
0x6e: {  	_ =	shalt  }
0x6f: {  	_ =	shalt  }
0x70: {  	_ =	shalt  }
0x71: {  	_ =	shalt  }
0x72: {  	_ =	shalt  }
0x73: {  	_ =	shalt  }
0x74: {  	_ =	shalt  }
0x75: {  	_ =	shalt  }
0x76: {  	_ =	shalt  }
0x77: {  	_ =	shalt  }
0x78: {  	_ =	shalt  }
0x79: {  	_ =	shalt  }
0x7a: {  	_ =	shalt  }
0x7b: {  	_ =	shalt  }
0x7c: {  	_ =	shalt  }
0x7d: {  	_ =	shalt  }
0x7e: {  	_ =	shalt  }
0x7f: {  	_ =	shalt  }
0x80: {  	_ =	shalt  }
0x81: {  	_ =	shalt  }
0x82: {  	_ =	shalt  }
0x83: {  	_ =	shalt  }
0x84: {  	_ =	shalt  }
0x85: {  	_ =	shalt  }
0x86: {  	_ =	shalt  }
0x87: {  	_ =	shalt  }
.Lfunc_end0:
.L_simem_size_0:
called_computation.2_lowered:
.L_overlay_start_0:
0x88: {  	s2 =	sld [smem:$0x3FD9]  }
0x89: {  	s3 =	sld [smem:$0x3FFE];
	_ =	sdelay $0x1  }
0x8a: {  	s1 =	srdreg.scid  }
0x8b: {  	s0 =	sand.u32 $0x1, s1  }
0x8c: {  	s17 =	sshll.u32 s0, $0xA;
	s2 =	sadd.s32 s3, s2  }
0x8d: {  	s2 =	sadd.s32 s2, s17  }
0x8e: {  	[smem:$0x3FC6] =	sst s2  }
0x8f: {  	_ = 	snop  }
0x90: {  	s2 =	sld [smem:$0x3FD0];
	(tm) =	ssettm $0x1  }
0x91: {  	s18 =	sld [smem:$0x3FFB];
	_ =	sdelay $0x3  }
0x92: {  	_ =	strace s18  }
0x93: {  	s3 =	sld [smem:$0x3FFC];
	_ =	sdelay $0x3  }
0x94: {  	_ =	strace s3  }
0x95: {  	s3 =	sld [smem:$0x3FFD];
	_ =	sdelay $0x3  }
0x96: {  	_ =	strace s3  }
0x97: {  	_ =	strace $0x8FFFFFFF  }
0x98: {  	s19 =	sld [smem:$0x3FDB];
	_ =	sdelay $0x1  }
0x99: {  	s4 =	simm.s32 $_scs_section_size  }
0x9a: {  	s5 =	simm.s32 $_size__tile_overlayer_lowered;
	s6 =	simm.s32 $_tile_overlayer_lowered  }
0x9b: {  	s22 =	simm.s32 $0x1BFF;
	s21 =	sshll.u32 s6, $0x1;
	s3 =	sadd.s32 s4, s19  }
0x9c: {  	s7 =	simm.s32 $0x0;
	s20 =	sshll.u32 s5, $0x1;
	s5 =	sadd.s32 s21, s3  }
0x9d: {  	[timem:s7], [sflag:s22] =	dma.local [hbm:s5], s20  }
0x9e: {  	_ =	swait.ge [sflag:s22], s20  }
0x9f: {  	s4 =	ssub.s32 $0x0, s20;
	[sflag:s22] =	ssyncset.done $0x0  }
0xa0: {  	[sflag:s22] =	ssyncadd.s32 s4;
	_ =	sdelay $0x1  }
0xa1: {  	s23 =	simm.s32 $0x1B8B  }
0xa2: {  	_ =	swait.ge [sflag:s23], $0x1  }
0xa3: {  	[sflag:s23] =	ssyncset.done $0x0  }
0xa4: {  	s25 =	simm.s32 $0x1B8E;
	s24 =	sld [smem:$0x3FFE];
	[sflag:s23] =	ssyncadd.s32 $0xFFFFFFFF  }
0xa5: {  	s26 =	simm.s32 $execute0_lowered;
	[smem:$0x3FD2] =	sst s25  }
0xa6: {  	s5 =	sshll.u32 s26, $0x1;
	_ =	strace $0x8000004C;
	[dreg:$0x1] =	wrdreg $0xFFFFFFFF  }
0xa7: {  	s28 =	simm.s32 $_size_execute0_lowered;
	s3 =	sadd.s32 s3, s5;
	[dreg:$0x0] =	wrdreg $0x0  }
0xa8: {  	s5 =	sshll.u32 s28, $0x1;
	[dreg:$0x2] =	wrdreg s3  }
0xa9: {  	[dreg:$0x3] =	wrdreg s5  }
0xaa: {  	[dreg:$0x4] =	wrdreg $0xC0  }
0xab: {  	_ =	task [dreg:s7], $0x5FFFF  }
0xac: {  	[dreg:$0x1] =	wrdreg $0xFFFFFFFF  }
0xad: {  	[dreg:$0x0] =	wrdreg $0x60  }
0xae: {  	[dreg:$0x2] =	wrdreg s2  }
0xaf: {  	[dreg:$0x3] =	wrdreg s24  }
0xb0: {  	[dreg:$0x4] =	wrdreg $0x90000  }
0xb1: {  	[dreg:$0x5] =	wrdreg $0x9  }
0xb2: {  	_ =	task.clear_ibuf [dreg:s7], $0x6FFFF;
	_ =	strace $0x9000004C  }
0xb3: {  	s29 =	simm.s32 $0x9;
	_ =	strace $0x8000004E  }
0xb4: {  	_ =	swait.ge [sflag:s29], $0x1  }
0xb5: {  	[sflag:s29] =	ssyncadd.s32 $0xFFFFFFFF  }
0xb6: {  	_ =	strace $0x9000004E  }
0xb7: {  	_ =	sfence  }
0xb8: {  	s30 =	sld [smem:$0x0];
	_ =	sdelay $0x2  }
0xb9: {  	s31 =	sshll.u32 s1, $0xD;
	s1 =	sshrl.u32 s1, $0x2  }
0xba: {  	s3 =	sand.u32 $0x4000, s31;
	s1 =	sadd.s32 s1, s30  }
0xbb: {  	s0 =	sor.u32 s3, s0;
	s1 =	sshll.u32 s1, $0x11  }
0xbc: {  	s0 =	sor.u32 s1, s0  }
0xbd: {  	s0 =	sadd.s32 $0x8F2B, s0  }
0xbe: {  	[sflag:s0] =	ssyncadd.remote.s32 $0x1  }
0xbf: {  	_ =	sfence.sel $0xFFFF  }
0xc0: {  	[dreg:$0x0] =	wrdreg $0xFFFFFFFF;
	(pc) =	sbr.abs _section_cstart, $3  }
0xc1: {  	[dreg:$0x1] =	wrdreg $0xFFFFFFFF  }
0xc2: {  	_ =	task.clear_ibuf [dreg:s7], $0x2FFFF;
	_ =	strace $0x9FFFFFFF  }
0xc3: {  	(tm) =	ssettm $0x7FFFFFFF  }
tec
execute0_lowered:
.L_overlay_start_1:
0x0: {  	(tag) =	ssettag $0x1  }
0x1: {  	s7 =	rddreg [dreg:$0x0]  }
0x2: {  	s6 =	rddreg [dreg:$0x1]  }
0x3: {  	s1 =	rddreg [dreg:$0x2]  }
0x4: {  	s0 =	rddreg [dreg:$0x3];
	s2 =	simm.s32 $0x0  }
0x5: {  	s3 =	srdreg.scid;
	[smem:$0x7FF] =	sst s2;
	s4 =	sadd.s32 $0x1C00, s6  }
0x6: {  	s5 =	sadd.s32 $0x29C00, s6;
	s8 =	sand.u32 $0x1, s3;
	s3 =	stileid.u32  }
0x7: {  	_ =	strace $0x8000004D;
	s9 =	smul.u32 $0x28000, s8;
	s10 =	sshll.u32 s8, $0x4  }
0x8: {  	s8 =	ssub.s32 $0x2, s8;
	s11 =	smul.u32 $0x50000, s3;
	s31 =	sshll.u32 s3, $0x6  }
0x9: {  	s14 =	smul.u32 $0x2800, s3;
	s10 =	sor.u32 s3, s10;
	s29 =	sshrl.u32 s8, $0x1  }
0xa: {  	s9 =	sadd.s32 s9, s6;
	s10 =	smul.u32 $0xA00, s10;
	s8 =	ssub.s32 s8, s29  }
0xb: {  	s30 =	sshrl.u32 s11, $0x2;
	s6 =	sor.u32 $0x1C01, s31;
	s11 =	simm.s32 $0x7D  }
0xc: {  	s12 =	sadd.s32 s30, s1;
	s13 =	sadd.s32 $0x7C400, s9;
	s8 =	smax.u32 s8, $0x1  }
0xd: {  	s7 =	sadd.s32 s7, s10;
	s9 =	sshrl.u32 s12, $0x3;
	s10 =	simm.s32 $0x1  }
0xe: {  	s12 =	simm.s32 $0x5000;
	s13 =	sadd.s32 s14, s13;
	s14 =	simm.s32 $0x0  }
.LBB2_1:
0xf: {  	[spmem:s9], [sflag:s6] =	dma.local [hbm:s5], $0x2800  }
0x10: {  	_ =	swait.ge [sflag:s10], $0x2800  }
0x11: {  	[sflag:s10] =	ssyncset.done $0x0  }
0x12: {  	[sflag:s10] =	ssyncadd.s32 $0xFFFFD800  }
0x13: {  	[tilespmem:s2], [sflag:$0x1] =	stream.linear.gather [hbm4b:s7+s2], $0x5000, $0x38;
	[tilespmem:$0x1D000] =	vst v63  }
0x14: {  	_ =	swait.ge [sflag:s10], $0x5000  }
0x15: {  	[sflag:s10] =	ssyncset.done $0x0  }
0x16: {  	[sflag:s10] =	ssyncadd.s32 $0xFFFFB000  }
0x17: {  	s15 =	simm.s32 $0x0;
	[bflag:$0x0] =	sbarrier.arrive $0xFFFF  }
0x18: {  	[tilespmem:s12], [sflag:$0x1] =	stream.indirect.gather [hbm4b:s4+s11], $0x80, s15, s11, $0xb8;
	[tilespmem:$0x1D000] =	vst v63  }
0x19: {  	_ =	swait.ge [sflag:s10], $0x3E80  }
0x1a: {  	[sflag:s10] =	ssyncset.done $0x0  }
0x1b: {  	s31 =	simm.s32 $0x2800;
	[sflag:s10] =	ssyncadd.s32 $0xFFFFC180  }
0x1c: {  	[spmem:s1] =	stream.indirect.scatter.add.f32 [tilespmem:s12], [sflag:$0x1], $0x80, s31, s11, $0xb8;
	[tilespmem:$0x1D000] =	vst v63  }
0x1d: {  	_ =	swait.ge [sflag:s10], $0x3E80  }
0x1e: {  	s16 =	simm.s32 $0x400;
	s15 =	simm.s32 $0x200;
	[sflag:s10] =	ssyncset.done $0x0  }
.LBB2_2:
0x1f: {  	s17 =	sshra.s32 s15, $0x2  }
0x20: {  	[sflag:s10] =	ssyncadd.s32 $0xFFFFC180;
	s15 =	smov.u32 s16;
	s18 =	sadd.s32 $0x200, s16  }
0x21: {  	[tilespmem:s12], [sflag:$0x1] =	stream.indirect.gather [hbm4b:s4+s11], $0x80, s17, s11, $0xb8;
	[tilespmem:$0x1D000] =	vst v63  }
0x22: {  	p0 =	sne.s32 s16, $0x9E00;
	_ =	swait.ge [sflag:s10], $0x3E80  }
.Ltmp0:
0x23: {  	[sflag:s10] =	ssyncset.done $0x0;
	(pc) =	sbr.rel @p0 .LBB2_2-.Ltmp0, $4  }
0x24: {  	s16 =	sadd.s32 $0x2800, s17;
	[sflag:s10] =	ssyncadd.s32 $0xFFFFC180  }
0x25: {  	[spmem:s1] =	stream.indirect.scatter.add.f32 [tilespmem:s12], [sflag:$0x1], $0x80, s16, s11, $0xb8;
	[tilespmem:$0x1D000] =	vst v63  }
0x26: {  	_ =	swait.ge [sflag:s10], $0x3E80  }
0x27: {  	s16 =	smov.u32 s18;
	[sflag:s10] =	ssyncset.done $0x0  }
0x28: {  	s15 =	sshra.s32 s15, $0x2;
	[sflag:s10] =	ssyncadd.s32 $0xFFFFC180  }
0x29: {  	[tilespmem:s12], [sflag:$0x1] =	stream.indirect.gather [hbm4b:s4+s11], $0x80, s15, s11, $0xb8;
	[tilespmem:$0x1D000] =	vst v63  }
0x2a: {  	_ =	swait.ge [sflag:s10], $0x3E80  }
0x2b: {  	[sflag:s10] =	ssyncset.done $0x0  }
0x2c: {  	s15 =	sadd.s32 $0x2800, s15;
	[sflag:s10] =	ssyncadd.s32 $0xFFFFC180  }
0x2d: {  	[spmem:s1] =	stream.indirect.scatter.add.f32 [tilespmem:s12], [sflag:$0x1], $0x80, s15, s11, $0xb8;
	[tilespmem:$0x1D000] =	vst v63  }
0x2e: {  	_ =	swait.ge [sflag:s10], $0x3E80  }
0x2f: {  	s14 =	sadd.s32 $0x1, s14;
	[sflag:s10] =	ssyncset.done $0x0  }
0x30: {  	p0 =	sne.s32 s14, s8;
	[sflag:s10] =	ssyncadd.s32 $0xFFFFC180  }
.Ltmp1:
0x31: {  	[bflag:$0x0] =	sbarrier.arrive $0xFFFF;
	(pc) =	sbr.rel @p0 .LBB2_1-.Ltmp1, $4  }
0x32: {  	[hbm:s13], [sflag:s6] =	dma.local [spmem:s9], $0x2800  }
0x33: {  	_ =	swait.ge [sflag:s10], $0x2800  }
0x34: {  	[sflag:s10] =	ssyncset.done $0x0  }
0x35: {  	[sflag:s10] =	ssyncadd.s32 $0xFFFFD800  }
0x36: {  	_ =	sfence.sel $0x180000  }
0x37: {  	[bflag:$0x0] =	sbarrier.arrive $0xFFFF  }
0x38: {  	p0 =	sne.s32 s3, $0x0;
	_ =	strace $0x9000004D  }
0x39: {  	s0 =	sadd.s32 @!p0 $0x100000, s0;
	[bflag:$0x2] =	sbarrier.arrive $0xFFFF  }
0x3a: {  	[sflag:s0] =	ssyncadd.tile.s32 @!p0 $0x1;
	_ =	shalt  }
.Lfunc_end2:
_tile_overlayer_lowered:
.L_overlay_start_2:
0x3b: {  	(tag) =	ssettag $0x2  }
0x3c: {  	s0 =	rddreg [dreg:$0x0];
	s2 =	stileid.u32  }
0x3d: {  	s1 =	rddreg [dreg:$0x1];
	p0 =	sne.s32 s2, $0x0  }
0x3e: {  	s3 =	rddreg [dreg:$0x2];
	[bflag:$0x3] =	sbarrier.arrive $0xFFFF;
	s2 =	simm.s32 @!p0 $0x1C01  }
0x3f: {  	[timem:s3], [sflag:s2] =	dma.local @!p0 [hbm:s0], s1  }
0x40: {  	s0 =	simm.s32 @!p0 $0x1  }
0x41: {  	_ =	swait.ge @!p0 [sflag:s0], s1  }
0x42: {  	s1 =	ssub.s32 @!p0 $0x0, s1;
	[sflag:s0] =	ssyncset.done @!p0 $0x0  }
0x43: {  	[sflag:s0] =	ssyncadd.s32 @!p0 s1  }
0x44: {  	[bflag:$0x3] =	sbarrier.arrive $0xFFFF  }
0x45: {  	_ =	shalt  }

// kernel: kernel.20.cloned.1.call-start
scs
__scs_entry_jumppad:
0x0: {  	(pc) =	sbr.rel $0x88, $3  }
0x1: {  	(tag) =	ssettag $0x0;
	lr =	simm.s32 $0x1  }
0x2: {  	[smem:$0x3F9F] =	sst lr;
	_ =	strace $0xD0000000  }
0x3: {  	_ = 	snop  }
0x4: {  	_ = 	snop  }
0x5: {  	_ = 	snop  }
0x6: {  	_ = 	snop  }
0x7: {  	_ = 	snop  }
__scs_overlays_trampoline_lowered:
0x8: {  	[smem:$0x3FAE] =	sst s0  }
0x9: {  	[smem:$0x3FAF] =	sst s1  }
0xa: {  	[smem:$0x3FB0] =	sst s2  }
0xb: {  	[smem:$0x3FB1] =	sst s3  }
0xc: {  	[smem:$0x3FB2] =	sst s4  }
0xd: {  	[smem:$0x3FB3] =	sst s5  }
0xe: {  	[smem:$0x3FB4] =	sst s6  }
0xf: {  	[smem:$0x3FB5] =	sst s7  }
0x10: {  	[smem:$0x3FB6] =	sst s8  }
0x11: {  	[smem:$0x3FB7] =	sst s9;
	s0 =	simm.s32 @!p0 $0x0  }
0x12: {  	s1 =	sld [smem:$0x3F9D];
	s0 =	simm.s32 @p0 $0x1  }
0x13: {  	[smem:$0x3FB8] =	sst s0;
	s0 =	simm.s32 @!p1 $0x0  }
0x14: {  	s2 =	sld [smem:$0x3F9C];
	s0 =	simm.s32 @p1 $0x1  }
0x15: {  	[smem:$0x3FB9] =	sst s0;
	s0 =	simm.s32 @!p2 $0x0  }
0x16: {  	s3 =	sld [smem:$0x3FDB];
	s0 =	simm.s32 @p2 $0x1  }
0x17: {  	s4 =	simm.s32 $0x1BF5;
	[smem:$0x3FBB] =	sst s0  }
0x18: {  	s0 =	sld [smem:$0x3F9E];
	_ =	swait.ge [sflag:s4], $0x0  }
0x19: {  	s7 =	sld [smem:$0x3F9F]  }
0x1a: {  	s8 =	sadd.s32 $0xFFFFE003, lr  }
0x1b: {  	s9 =	sadd.s32 $0xFFFFFEF7, lr;
	s5 =	simm.s32 $0xFFFFFFFF;
	p2 =	slt.u32 s8, $0xFFFFF086  }
0x1c: {  	p1 =	slt.u32 s9, $0xF7A;
	s5 =	simm.s32 @!p2 $0x0  }
0x1d: {  	s5 =	simm.s32 @p1 $0x1;
	p0 =	seq.s32 s7, s2  }
0x1e: {  	s7 =	smul.u32 @!p0 $0xF7A, s2;
	p2 =	seq.s32 @!p0 s5, $0x0  }
0x1f: {  	s9 =	smul.u32 $0xF7A, s1;
	s8 =	simm.s32 @!p0 $0x1BF5;
	p2 =	por !p2, p0  }
0x20: {  	[sflag:s8] =	ssyncset.s32 @!p0 $0xFFFFF086;
	s6 =	sadd.s32 @!p0 s3, s7;
	s7 =	simm.s32 @!p0 $0x108  }
0x21: {  	s3 =	sadd.s32 s3, s9;
	s6 =	sadd.s32 @!p0 $0x88, s6;
	s7 =	simm.s32 @p2 $0x1082  }
0x22: {  	[simem:s7], [sflag:s8] =	dma.local @!p0 [hbm:s6], $0xF7A  }
0x23: {  	s9 =	sor.u32 $0xD0000000, s2;
	s6 =	simm.s32 $0x108;
	_ =	swait.ge @!p0 [sflag:s8], $0x0  }
0x24: {  	s3 =	sadd.s32 $0x88, s3;
	s6 =	simm.s32 @!p1 $0x1082;
	[sflag:s4] =	ssyncset.s32 $0xFFFFF086  }
0x25: {  	[simem:s6], [sflag:s4] =	dma.local [hbm:s3], $0xF7A  }
0x26: {  	[smem:$0x3F9F] =	sst s1;
	(tag) =	ssettag s2;
	_ =	strace s9  }
0x27: {  	s1 =	sld [smem:$0x3FAF]  }
0x28: {  	s2 =	sld [smem:$0x3FB0]  }
0x29: {  	s4 =	sld [smem:$0x3FB2]  }
0x2a: {  	p0 =	seq.s32 s5, $0x0;
	s5 =	sld [smem:$0x3FB3]  }
0x2b: {  	s6 =	sld [smem:$0x3FB4]  }
0x2c: {  	s7 =	sld [smem:$0x3FB5]  }
0x2d: {  	s3 =	simm.s32 $0x108;
	s8 =	sld [smem:$0x3FB6]  }
0x2e: {  	s3 =	simm.s32 @!p0 $0x1082;
	s9 =	sld [smem:$0x3FB7]  }
0x2f: {  	lr =	sadd.s32 s0, s3;
	s0 =	sld [smem:$0x3FAE]  }
0x30: {  	s3 =	sld [smem:$0x3FB1]  }
0x31: {  	[smem:$0x3FBA] =	sst s10  }
0x32: {  	s10 =	sld [smem:$0x3FB8];
	_ =	sdelay $0x3  }
0x33: {  	p0 =	seq.s32 s10, $0x1;
	s10 =	sld [smem:$0x3FBA];
	_ =	sdelay $0x3  }
0x34: {  	[smem:$0x3FBA] =	sst s10  }
0x35: {  	s10 =	sld [smem:$0x3FB9];
	_ =	sdelay $0x3  }
0x36: {  	p1 =	seq.s32 s10, $0x1;
	s10 =	sld [smem:$0x3FBA];
	_ =	sdelay $0x3  }
0x37: {  	[smem:$0x3FBA] =	sst s10  }
0x38: {  	s10 =	sld [smem:$0x3FBB]  }
0x39: {  	_ = 	snop;
	(pc) =	sbr.ind lr, $3  }
0x3a: {  	_ = 	snop  }
0x3b: {  	_ = 	snop  }
0x3c: {  	p2 =	seq.s32 s10, $0x1;
	s10 =	sld [smem:$0x3FBA]  }
0x3d: {  	_ =	shalt  }
0x3e: {  	_ =	shalt  }
0x3f: {  	_ =	shalt  }
0x40: {  	_ =	shalt  }
0x41: {  	_ =	shalt  }
0x42: {  	_ =	shalt  }
0x43: {  	_ =	shalt  }
0x44: {  	_ =	shalt  }
0x45: {  	_ =	shalt  }
0x46: {  	_ =	shalt  }
0x47: {  	_ =	shalt  }
0x48: {  	_ =	shalt  }
0x49: {  	_ =	shalt  }
0x4a: {  	_ =	shalt  }
0x4b: {  	_ =	shalt  }
0x4c: {  	_ =	shalt  }
0x4d: {  	_ =	shalt  }
0x4e: {  	_ =	shalt  }
0x4f: {  	_ =	shalt  }
0x50: {  	_ =	shalt  }
0x51: {  	_ =	shalt  }
0x52: {  	_ =	shalt  }
0x53: {  	_ =	shalt  }
0x54: {  	_ =	shalt  }
0x55: {  	_ =	shalt  }
0x56: {  	_ =	shalt  }
0x57: {  	_ =	shalt  }
0x58: {  	_ =	shalt  }
0x59: {  	_ =	shalt  }
0x5a: {  	_ =	shalt  }
0x5b: {  	_ =	shalt  }
0x5c: {  	_ =	shalt  }
0x5d: {  	_ =	shalt  }
0x5e: {  	_ =	shalt  }
0x5f: {  	_ =	shalt  }
0x60: {  	_ =	shalt  }
0x61: {  	_ =	shalt  }
0x62: {  	_ =	shalt  }
0x63: {  	_ =	shalt  }
0x64: {  	_ =	shalt  }
0x65: {  	_ =	shalt  }
0x66: {  	_ =	shalt  }
0x67: {  	_ =	shalt  }
0x68: {  	_ =	shalt  }
0x69: {  	_ =	shalt  }
0x6a: {  	_ =	shalt  }
0x6b: {  	_ =	shalt  }
0x6c: {  	_ =	shalt  }
0x6d: {  	_ =	shalt  }
0x6e: {  	_ =	shalt  }
0x6f: {  	_ =	shalt  }
0x70: {  	_ =	shalt  }
0x71: {  	_ =	shalt  }
0x72: {  	_ =	shalt  }
0x73: {  	_ =	shalt  }
0x74: {  	_ =	shalt  }
0x75: {  	_ =	shalt  }
0x76: {  	_ =	shalt  }
0x77: {  	_ =	shalt  }
0x78: {  	_ =	shalt  }
0x79: {  	_ =	shalt  }
0x7a: {  	_ =	shalt  }
0x7b: {  	_ =	shalt  }
0x7c: {  	_ =	shalt  }
0x7d: {  	_ =	shalt  }
0x7e: {  	_ =	shalt  }
0x7f: {  	_ =	shalt  }
0x80: {  	_ =	shalt  }
0x81: {  	_ =	shalt  }
0x82: {  	_ =	shalt  }
0x83: {  	_ =	shalt  }
0x84: {  	_ =	shalt  }
0x85: {  	_ =	shalt  }
0x86: {  	_ =	shalt  }
0x87: {  	_ =	shalt  }
.Lfunc_end0:
.L_simem_size_0:
called_computation.3_lowered:
.L_overlay_start_0:
0x88: {  	s2 =	sld [smem:$0x3FD9]  }
0x89: {  	s3 =	sld [smem:$0x3FFE];
	_ =	sdelay $0x1  }
0x8a: {  	s1 =	srdreg.scid  }
0x8b: {  	s0 =	sand.u32 $0x1, s1  }
0x8c: {  	s17 =	sshll.u32 s0, $0xA;
	s2 =	sadd.s32 s3, s2  }
0x8d: {  	s2 =	sadd.s32 s2, s17  }
0x8e: {  	[smem:$0x3FC6] =	sst s2  }
0x8f: {  	_ = 	snop  }
0x90: {  	s2 =	sld [smem:$0x3FD0];
	(tm) =	ssettm $0x1  }
0x91: {  	s18 =	sld [smem:$0x3FFB];
	_ =	sdelay $0x3  }
0x92: {  	_ =	strace s18  }
0x93: {  	s3 =	sld [smem:$0x3FFC];
	_ =	sdelay $0x3  }
0x94: {  	_ =	strace s3  }
0x95: {  	s3 =	sld [smem:$0x3FFD];
	_ =	sdelay $0x3  }
0x96: {  	_ =	strace s3  }
0x97: {  	_ =	strace $0x8FFFFFFF  }
0x98: {  	s19 =	sld [smem:$0x3FDB];
	_ =	sdelay $0x1  }
0x99: {  	s4 =	simm.s32 $_scs_section_size  }
0x9a: {  	s5 =	simm.s32 $_size__tile_overlayer_lowered;
	s6 =	simm.s32 $_tile_overlayer_lowered  }
0x9b: {  	s22 =	simm.s32 $0x1BFF;
	s21 =	sshll.u32 s6, $0x1;
	s3 =	sadd.s32 s4, s19  }
0x9c: {  	s7 =	simm.s32 $0x0;
	s20 =	sshll.u32 s5, $0x1;
	s5 =	sadd.s32 s21, s3  }
0x9d: {  	[timem:s7], [sflag:s22] =	dma.local [hbm:s5], s20  }
0x9e: {  	_ =	swait.ge [sflag:s22], s20  }
0x9f: {  	s4 =	ssub.s32 $0x0, s20;
	[sflag:s22] =	ssyncset.done $0x0  }
0xa0: {  	[sflag:s22] =	ssyncadd.s32 s4;
	_ =	sdelay $0x1  }
0xa1: {  	s23 =	simm.s32 $0x1B8B  }
0xa2: {  	_ =	swait.ge [sflag:s23], $0x1  }
0xa3: {  	[sflag:s23] =	ssyncset.done $0x0  }
0xa4: {  	s25 =	simm.s32 $0x1B8E;
	s24 =	sld [smem:$0x3FFE];
	[sflag:s23] =	ssyncadd.s32 $0xFFFFFFFF  }
0xa5: {  	s26 =	simm.s32 $execute0_lowered;
	[smem:$0x3FD2] =	sst s25  }
0xa6: {  	s5 =	sshll.u32 s26, $0x1;
	_ =	strace $0x8000004F;
	[dreg:$0x1] =	wrdreg $0xFFFFFFFF  }
0xa7: {  	s28 =	simm.s32 $_size_execute0_lowered;
	s3 =	sadd.s32 s3, s5;
	[dreg:$0x0] =	wrdreg $0x0  }
0xa8: {  	s5 =	sshll.u32 s28, $0x1;
	[dreg:$0x2] =	wrdreg s3  }
0xa9: {  	[dreg:$0x3] =	wrdreg s5  }
0xaa: {  	[dreg:$0x4] =	wrdreg $0xC0  }
0xab: {  	_ =	task [dreg:s7], $0x5FFFF  }
0xac: {  	[dreg:$0x1] =	wrdreg $0xFFFFFFFF  }
0xad: {  	[dreg:$0x0] =	wrdreg $0x60  }
0xae: {  	[dreg:$0x2] =	wrdreg s2  }
0xaf: {  	[dreg:$0x3] =	wrdreg s24  }
0xb0: {  	[dreg:$0x4] =	wrdreg $0x90000  }
0xb1: {  	[dreg:$0x5] =	wrdreg $0x9  }
0xb2: {  	_ =	task.clear_ibuf [dreg:s7], $0x6FFFF;
	_ =	strace $0x9000004F  }
0xb3: {  	s29 =	simm.s32 $0x9;
	_ =	strace $0x80000051  }
0xb4: {  	_ =	swait.ge [sflag:s29], $0x1  }
0xb5: {  	[sflag:s29] =	ssyncadd.s32 $0xFFFFFFFF  }
0xb6: {  	_ =	strace $0x90000051  }
0xb7: {  	_ =	sfence  }
0xb8: {  	s30 =	sld [smem:$0x0];
	_ =	sdelay $0x2  }
0xb9: {  	s31 =	sshll.u32 s1, $0xD;
	s1 =	sshrl.u32 s1, $0x2  }
0xba: {  	s3 =	sand.u32 $0x4000, s31;
	s1 =	sadd.s32 s1, s30  }
0xbb: {  	s0 =	sor.u32 s3, s0;
	s1 =	sshll.u32 s1, $0x11  }
0xbc: {  	s0 =	sor.u32 s1, s0  }
0xbd: {  	s0 =	sadd.s32 $0x8F2B, s0  }
0xbe: {  	[sflag:s0] =	ssyncadd.remote.s32 $0x1  }
0xbf: {  	_ =	sfence.sel $0xFFFF  }
0xc0: {  	[dreg:$0x0] =	wrdreg $0xFFFFFFFF;
	(pc) =	sbr.abs _section_cstart, $3  }
0xc1: {  	[dreg:$0x1] =	wrdreg $0xFFFFFFFF  }
0xc2: {  	_ =	task.clear_ibuf [dreg:s7], $0x2FFFF;
	_ =	strace $0x9FFFFFFF  }
0xc3: {  	(tm) =	ssettm $0x7FFFFFFF  }
tec
execute0_lowered:
.L_overlay_start_1:
0x0: {  	(tag) =	ssettag $0x1  }
0x1: {  	s7 =	rddreg [dreg:$0x0]  }
0x2: {  	s6 =	rddreg [dreg:$0x1]  }
0x3: {  	s1 =	rddreg [dreg:$0x2]  }
0x4: {  	s0 =	rddreg [dreg:$0x3];
	s2 =	simm.s32 $0x0  }
0x5: {  	s3 =	srdreg.scid;
	[smem:$0x7FF] =	sst s2;
	s4 =	sadd.s32 $0x1C00, s6  }
0x6: {  	s5 =	sadd.s32 $0x29C00, s6;
	s8 =	sand.u32 $0x1, s3;
	s3 =	stileid.u32  }
0x7: {  	_ =	strace $0x80000050;
	s9 =	smul.u32 $0x28000, s8;
	s10 =	sshll.u32 s8, $0x4  }
0x8: {  	s8 =	ssub.s32 $0x2, s8;
	s11 =	smul.u32 $0x50000, s3;
	s31 =	sshll.u32 s3, $0x6  }
0x9: {  	s14 =	smul.u32 $0x2800, s3;
	s10 =	sor.u32 s3, s10;
	s29 =	sshrl.u32 s8, $0x1  }
0xa: {  	s9 =	sadd.s32 s9, s6;
	s10 =	smul.u32 $0xA00, s10;
	s8 =	ssub.s32 s8, s29  }
0xb: {  	s30 =	sshrl.u32 s11, $0x2;
	s6 =	sor.u32 $0x1C01, s31;
	s11 =	simm.s32 $0x7D  }
0xc: {  	s12 =	sadd.s32 s30, s1;
	s13 =	sadd.s32 $0xCC400, s9;
	s8 =	smax.u32 s8, $0x1  }
0xd: {  	s7 =	sadd.s32 s7, s10;
	s9 =	sshrl.u32 s12, $0x3;
	s10 =	simm.s32 $0x1  }
0xe: {  	s12 =	simm.s32 $0x5000;
	s13 =	sadd.s32 s14, s13;
	s14 =	simm.s32 $0x0  }
.LBB2_1:
0xf: {  	[spmem:s9], [sflag:s6] =	dma.local [hbm:s5], $0x2800  }
0x10: {  	_ =	swait.ge [sflag:s10], $0x2800  }
0x11: {  	[sflag:s10] =	ssyncset.done $0x0  }
0x12: {  	[sflag:s10] =	ssyncadd.s32 $0xFFFFD800  }
0x13: {  	[tilespmem:s2], [sflag:$0x1] =	stream.linear.gather [hbm4b:s7+s2], $0x5000, $0x38;
	[tilespmem:$0x1D000] =	vst v63  }
0x14: {  	_ =	swait.ge [sflag:s10], $0x5000  }
0x15: {  	[sflag:s10] =	ssyncset.done $0x0  }
0x16: {  	[sflag:s10] =	ssyncadd.s32 $0xFFFFB000  }
0x17: {  	s15 =	simm.s32 $0x0;
	[bflag:$0x0] =	sbarrier.arrive $0xFFFF  }
0x18: {  	[tilespmem:s12], [sflag:$0x1] =	stream.indirect.gather [hbm4b:s4+s11], $0x80, s15, s11, $0xb8;
	[tilespmem:$0x1D000] =	vst v63  }
0x19: {  	_ =	swait.ge [sflag:s10], $0x3E80  }
0x1a: {  	[sflag:s10] =	ssyncset.done $0x0  }
0x1b: {  	s31 =	simm.s32 $0x2800;
	[sflag:s10] =	ssyncadd.s32 $0xFFFFC180  }
0x1c: {  	[spmem:s1] =	stream.indirect.scatter.add.f32 [tilespmem:s12], [sflag:$0x1], $0x80, s31, s11, $0xb8;
	[tilespmem:$0x1D000] =	vst v63  }
0x1d: {  	_ =	swait.ge [sflag:s10], $0x3E80  }
0x1e: {  	s16 =	simm.s32 $0x400;
	s15 =	simm.s32 $0x200;
	[sflag:s10] =	ssyncset.done $0x0  }
.LBB2_2:
0x1f: {  	s17 =	sshra.s32 s15, $0x2  }
0x20: {  	[sflag:s10] =	ssyncadd.s32 $0xFFFFC180;
	s15 =	smov.u32 s16;
	s18 =	sadd.s32 $0x200, s16  }
0x21: {  	[tilespmem:s12], [sflag:$0x1] =	stream.indirect.gather [hbm4b:s4+s11], $0x80, s17, s11, $0xb8;
	[tilespmem:$0x1D000] =	vst v63  }
0x22: {  	p0 =	sne.s32 s16, $0x9E00;
	_ =	swait.ge [sflag:s10], $0x3E80  }
.Ltmp0:
0x23: {  	[sflag:s10] =	ssyncset.done $0x0;
	(pc) =	sbr.rel @p0 .LBB2_2-.Ltmp0, $4  }
0x24: {  	s16 =	sadd.s32 $0x2800, s17;
	[sflag:s10] =	ssyncadd.s32 $0xFFFFC180  }
0x25: {  	[spmem:s1] =	stream.indirect.scatter.add.f32 [tilespmem:s12], [sflag:$0x1], $0x80, s16, s11, $0xb8;
	[tilespmem:$0x1D000] =	vst v63  }
0x26: {  	_ =	swait.ge [sflag:s10], $0x3E80  }
0x27: {  	s16 =	smov.u32 s18;
	[sflag:s10] =	ssyncset.done $0x0  }
0x28: {  	s15 =	sshra.s32 s15, $0x2;
	[sflag:s10] =	ssyncadd.s32 $0xFFFFC180  }
0x29: {  	[tilespmem:s12], [sflag:$0x1] =	stream.indirect.gather [hbm4b:s4+s11], $0x80, s15, s11, $0xb8;
	[tilespmem:$0x1D000] =	vst v63  }
0x2a: {  	_ =	swait.ge [sflag:s10], $0x3E80  }
0x2b: {  	[sflag:s10] =	ssyncset.done $0x0  }
0x2c: {  	s15 =	sadd.s32 $0x2800, s15;
	[sflag:s10] =	ssyncadd.s32 $0xFFFFC180  }
0x2d: {  	[spmem:s1] =	stream.indirect.scatter.add.f32 [tilespmem:s12], [sflag:$0x1], $0x80, s15, s11, $0xb8;
	[tilespmem:$0x1D000] =	vst v63  }
0x2e: {  	_ =	swait.ge [sflag:s10], $0x3E80  }
0x2f: {  	s14 =	sadd.s32 $0x1, s14;
	[sflag:s10] =	ssyncset.done $0x0  }
0x30: {  	p0 =	sne.s32 s14, s8;
	[sflag:s10] =	ssyncadd.s32 $0xFFFFC180  }
.Ltmp1:
0x31: {  	[bflag:$0x0] =	sbarrier.arrive $0xFFFF;
	(pc) =	sbr.rel @p0 .LBB2_1-.Ltmp1, $4  }
0x32: {  	[hbm:s13], [sflag:s6] =	dma.local [spmem:s9], $0x2800  }
0x33: {  	_ =	swait.ge [sflag:s10], $0x2800  }
0x34: {  	[sflag:s10] =	ssyncset.done $0x0  }
0x35: {  	[sflag:s10] =	ssyncadd.s32 $0xFFFFD800  }
0x36: {  	_ =	sfence.sel $0x180000  }
0x37: {  	[bflag:$0x0] =	sbarrier.arrive $0xFFFF  }
0x38: {  	p0 =	sne.s32 s3, $0x0;
	_ =	strace $0x90000050  }
0x39: {  	s0 =	sadd.s32 @!p0 $0x100000, s0;
	[bflag:$0x2] =	sbarrier.arrive $0xFFFF  }
0x3a: {  	[sflag:s0] =	ssyncadd.tile.s32 @!p0 $0x1;
	_ =	shalt  }
.Lfunc_end2:
_tile_overlayer_lowered:
.L_overlay_start_2:
0x3b: {  	(tag) =	ssettag $0x2  }
0x3c: {  	s0 =	rddreg [dreg:$0x0];
	s2 =	stileid.u32  }
0x3d: {  	s1 =	rddreg [dreg:$0x1];
	p0 =	sne.s32 s2, $0x0  }
0x3e: {  	s3 =	rddreg [dreg:$0x2];
	[bflag:$0x3] =	sbarrier.arrive $0xFFFF;
	s2 =	simm.s32 @!p0 $0x1C01  }
0x3f: {  	[timem:s3], [sflag:s2] =	dma.local @!p0 [hbm:s0], s1  }
0x40: {  	s0 =	simm.s32 @!p0 $0x1  }
0x41: {  	_ =	swait.ge @!p0 [sflag:s0], s1  }
0x42: {  	s1 =	ssub.s32 @!p0 $0x0, s1;
	[sflag:s0] =	ssyncset.done @!p0 $0x0  }
0x43: {  	[sflag:s0] =	ssyncadd.s32 @!p0 s1  }
0x44: {  	[bflag:$0x3] =	sbarrier.arrive $0xFFFF  }
0x45: {  	_ =	shalt  }

</sc_bundles>
